<compile_context>
chip_gen: v7x
topology: tpu7x:2x2x1
jax: 0.10.2.dev20260603
libtpu: 0.0.44.dev20260713+nightly
codegen_flags: <defaults>
</compile_context>

<pallas_src>
import functools

import jax
import jax.numpy as jnp
from jax import lax
from jax.experimental import pallas as pl
from jax.experimental.pallas import tpu as pltpu
from jax.experimental.pallas import tpu_sc as plsc

_N_PROMPTS = 32
_BATCH = 4
_SEQ = 2048
_HIDDEN = 1024

_info = plsc.get_sparse_core_info()
_NC = _info.num_cores
_NS = _info.num_subcores
_NW = _NC * _NS
_ROWS_PER_W = (_BATCH * _SEQ) // _NW
_CHUNK = 16
_NCHUNK = _ROWS_PER_W // _CHUNK
_NBUF = 6
_W_PER_B = _NW // _BATCH
_PROMPT_WORKERS = 16
_PROMPT_PER_W = (_BATCH * _N_PROMPTS) // _PROMPT_WORKERS

_mesh = plsc.VectorSubcoreMesh(core_axis_name="c", subcore_axis_name="s")


@functools.partial(
    pl.kernel,
    mesh=_mesh,
    out_type=jax.ShapeDtypeStruct((_BATCH, _N_PROMPTS + _SEQ, _HIDDEN), jnp.float32),
    scratch_types=[
        pltpu.VMEM((_ROWS_PER_W,), jnp.int32),
        pltpu.VMEM((_NBUF, _CHUNK, _HIDDEN), jnp.float32),
        pltpu.VMEM((_PROMPT_PER_W, _HIDDEN), jnp.float32),
    ] + [pltpu.SemaphoreType.DMA] * (2 * _NBUF + 1),
)
def _emb_lookup(
    ids_hbm, table_hbm, prompts_hbm, out_hbm,
    idx_v, rows_v, prompt_v,
    *sems,
):
    gsems = sems[:_NBUF]
    ssems = sems[_NBUF:2 * _NBUF]
    psem = sems[2 * _NBUF]
    wid = lax.axis_index("s") * _NC + lax.axis_index("c")
    b = wid // _W_PER_B
    sb = (wid % _W_PER_B) * _ROWS_PER_W

    is_prompt_worker = wid < _PROMPT_WORKERS
    pb = wid // (_PROMPT_WORKERS // _BATCH)
    p0 = (wid % (_PROMPT_WORKERS // _BATCH)) * _PROMPT_PER_W
    prompt_in = pltpu.make_async_copy(
        prompts_hbm.at[pl.ds(p0, _PROMPT_PER_W)], prompt_v, psem
    )

    @pl.when(is_prompt_worker)
    def _start_prompt_in():
        prompt_in.start()

    pltpu.sync_copy(ids_hbm.at[pl.ds(wid * _ROWS_PER_W, _ROWS_PER_W)], idx_v)

    def gather_start(c):
        return pltpu.make_async_copy(
            table_hbm.at[idx_v.at[pl.ds(c * _CHUNK, _CHUNK)]],
            rows_v.at[c % _NBUF],
            gsems[c % _NBUF],
        )

    def store_start(c):
        return pltpu.make_async_copy(
            rows_v.at[c % _NBUF],
            out_hbm.at[b, pl.ds(_N_PROMPTS + sb + c * _CHUNK, _CHUNK)],
            ssems[c % _NBUF],
        )

    gathers = [None] * _NCHUNK
    stores = [None] * _NCHUNK
    for c in range(min(_NBUF - 1, _NCHUNK)):
        gathers[c] = gather_start(c)
        gathers[c].start()

    for c in range(_NCHUNK):
        gathers[c].wait()
        stores[c] = store_start(c)
        stores[c].start()
        nxt = c + _NBUF - 1
        if nxt < _NCHUNK:
            prev = nxt - _NBUF
            if prev >= 0:
                stores[prev].wait()
            gathers[nxt] = gather_start(nxt)
            gathers[nxt].start()

    prompt_out = pltpu.make_async_copy(
        prompt_v, out_hbm.at[pb, pl.ds(p0, _PROMPT_PER_W)], psem
    )

    @pl.when(is_prompt_worker)
    def _prompt_out():
        prompt_in.wait()
        prompt_out.start()

    waited = set()
    for c in range(_NCHUNK):
        nxt = c + _NBUF - 1
        if nxt < _NCHUNK and nxt - _NBUF >= 0:
            waited.add(nxt - _NBUF)
    for c in range(_NCHUNK):
        if c not in waited:
            stores[c].wait()

    @pl.when(is_prompt_worker)
    def _prompt_drain():
        prompt_out.wait()


def kernel(prepadded_input_ids, emb_table, soft_prompts):
    ids = prepadded_input_ids[:, _N_PROMPTS:].reshape(-1)
    return _emb_lookup(ids, emb_table, soft_prompts)

# --- scband reference (transcript-rebuilt; emitter-appended) ---
"""Pipeline reference for scband-prompted-word-embeddings-6493990552087 (READ-ONLY COPY).

The authoritative reference and input builder live on the scoring server;
editing this copy changes nothing except your own understanding.
"""

import jax, jax.numpy as jnp
import numpy as np

N_PROMPTS = 32
VOCAB = 100000
HIDDEN = 1024
SEED_TOKEN_ID = 103
BATCH = 4
SEQ_LEN = 2048


def setup_inputs(seed: int = 0) -> dict:
    key = jax.random.key(seed)
    k1, k2 = jax.random.split(key, 2)
    prepadded_input_ids = jax.random.randint(
        k1, (BATCH, N_PROMPTS + SEQ_LEN), 0, VOCAB, dtype=jnp.int32
    )
    emb_table = jax.random.normal(k2, (VOCAB, HIDDEN), dtype=jnp.float32) * 0.02
    # soft prompts initialized from the seed token embedding (as in __init__)
    soft_prompts = jnp.zeros((N_PROMPTS, HIDDEN), dtype=jnp.float32) + emb_table[SEED_TOKEN_ID]
    return {
        "prepadded_input_ids": prepadded_input_ids,
        "emb_table": emb_table,
        "soft_prompts": soft_prompts,
    }


def reference(prepadded_input_ids, emb_table, soft_prompts):
    # emb = self.ori_emb(prepadded_input_ids[:, self.n_prompts:])
    ids = prepadded_input_ids[:, N_PROMPTS:]
    emb = jnp.take(emb_table, ids, axis=0)
    # expanded_prompts = self.soft_prompts.repeat(B, 1, 1)
    expanded_prompts = jnp.tile(soft_prompts[None, :, :], (prepadded_input_ids.shape[0], 1, 1))
    # torch.cat([expanded_prompts, emb], 1)
    return jnp.concatenate([expanded_prompts, emb], axis=1)

if __name__ == "__main__":
    import jax
    _d = setup_inputs()
    print(jax.jit(kernel)(*tuple(_d.values())))

</pallas_src>

<mosaic_0001>
#map = affine_map<(d0, d1) -> (0)>
#map1 = affine_map<(d0, d1) -> (0, 0)>
#map2 = affine_map<(d0, d1) -> (0, 0, 0)>
module attributes {stable_mosaic.version = 14 : i64} {
  func.func @_emb_lookup(%arg0: i32, %arg1: i32, %arg2: memref<8192xi32, #tpu.memory_space<hbm>>, %arg3: memref<100000x1024xf32, #tpu.memory_space<hbm>>, %arg4: memref<32x1024xf32, #tpu.memory_space<hbm>>, %arg5: memref<4x2080x1024xf32, #tpu.memory_space<hbm>>, %arg6: memref<256xi32, #tpu.memory_space<vmem>>, %arg7: memref<6x16x1024xf32, #tpu.memory_space<vmem>>, %arg8: memref<8x1024xf32, #tpu.memory_space<vmem>>, %arg9: memref<!tpu.dma_semaphore, #tpu.memory_space<semaphore_mem>>, %arg10: memref<!tpu.dma_semaphore, #tpu.memory_space<semaphore_mem>>, %arg11: memref<!tpu.dma_semaphore, #tpu.memory_space<semaphore_mem>>, %arg12: memref<!tpu.dma_semaphore, #tpu.memory_space<semaphore_mem>>, %arg13: memref<!tpu.dma_semaphore, #tpu.memory_space<semaphore_mem>>, %arg14: memref<!tpu.dma_semaphore, #tpu.memory_space<semaphore_mem>>, %arg15: memref<!tpu.dma_semaphore, #tpu.memory_space<semaphore_mem>>, %arg16: memref<!tpu.dma_semaphore, #tpu.memory_space<semaphore_mem>>, %arg17: memref<!tpu.dma_semaphore, #tpu.memory_space<semaphore_mem>>, %arg18: memref<!tpu.dma_semaphore, #tpu.memory_space<semaphore_mem>>, %arg19: memref<!tpu.dma_semaphore, #tpu.memory_space<semaphore_mem>>, %arg20: memref<!tpu.dma_semaphore, #tpu.memory_space<semaphore_mem>>, %arg21: memref<!tpu.dma_semaphore, #tpu.memory_space<semaphore_mem>>) attributes {dimension_semantics = [#tpu.dimension_semantics<core_parallel>, #tpu.dimension_semantics<subcore_parallel>], iteration_bounds = array<i64: 2, 16>, scalar_prefetch = 0 : i64, scratch_operands = 16 : i64, tpu.core_type = #tpu.core_type<sc_vector_subcore>, window_params = [{transform_indices = #map}, {transform_indices = #map1}, {transform_indices = #map1}, {transform_indices = #map2}]} {
    %mul3A = arith.constant 2 : i32
    %mul3A_0 = arith.muli %arg1, %mul3A : i32
    %add3A = arith.addi %mul3A_0, %arg0 : i32
    %jit3A = arith.constant 8 : i32
    %div3A = arith.divsi %add3A, %jit3A : i32
    %sign3A = arith.constant 0 : i32
    %sign3A_1 = arith.cmpi sgt, %add3A, %sign3A : i32
    %sign3A_2 = arith.extui %sign3A_1 : i1 to i32
    %sign3A_3 = arith.constant 0 : i32
    %sign3A_4 = arith.cmpi slt, %add3A, %sign3A_3 : i32
    %sign3A_5 = arith.extui %sign3A_4 : i1 to i32
    %sign3A_6 = arith.subi %sign3A_2, %sign3A_5 : i32
    %sign3A_7 = arith.constant 0 : i32
    %sign3A_8 = arith.cmpi sgt, %jit3A, %sign3A_7 : i32
    %sign3A_9 = arith.extui %sign3A_8 : i1 to i32
    %sign3A_10 = arith.constant 0 : i32
    %sign3A_11 = arith.cmpi slt, %jit3A, %sign3A_10 : i32
    %sign3A_12 = arith.extui %sign3A_11 : i1 to i32
    %sign3A_13 = arith.subi %sign3A_9, %sign3A_12 : i32
    %ne3A = arith.cmpi ne, %sign3A_6, %sign3A_13 : i32
    %rem3A = arith.remsi %add3A, %jit3A : i32
    %ne3A_14 = arith.constant 0 : i32
    %ne3A_15 = arith.cmpi ne, %rem3A, %ne3A_14 : i32
    %and3A = arith.andi %ne3A, %ne3A_15 : i1
    %sub3A = arith.constant 1 : i32
    %sub3A_16 = arith.subi %div3A, %sub3A : i32
    %select_n3A = arith.select %and3A, %sub3A_16, %div3A : i32
    %jit3A_17 = arith.constant 8 : i32
    %eq3A = arith.constant 0 : i32
    %eq3A_18 = arith.cmpi eq, %jit3A_17, %eq3A : i32
    %jit3A_19 = arith.constant 1 : i32
    %select_n3A_20 = arith.select %eq3A_18, %jit3A_19, %jit3A_17 : i32
    %rem3A_21 = arith.remsi %add3A, %select_n3A_20 : i32
    %ne3A_22 = arith.constant 0 : i32
    %ne3A_23 = arith.cmpi ne, %rem3A_21, %ne3A_22 : i32
    %lt3A = arith.constant 0 : i32
    %lt3A_24 = arith.cmpi slt, %rem3A_21, %lt3A : i32
    %lt3A_25 = arith.constant 0 : i32
    %lt3A_26 = arith.cmpi slt, %select_n3A_20, %lt3A_25 : i32
    %ne3A_27 = arith.xori %lt3A_24, %lt3A_26 : i1
    %and3A_28 = arith.andi %ne3A_27, %ne3A_23 : i1
    %add3A_29 = arith.addi %rem3A_21, %select_n3A_20 : i32
    %select_n3A_30 = arith.select %and3A_28, %add3A_29, %rem3A_21 : i32
    %mul3A_31 = arith.constant 256 : i32
    %mul3A_32 = arith.muli %select_n3A_30, %mul3A_31 : i32
    %lt3A_33 = arith.constant 16 : i32
    %lt3A_34 = arith.cmpi slt, %add3A, %lt3A_33 : i32
    %jit3A_35 = arith.constant 4 : i32
    %div3A_36 = arith.divsi %add3A, %jit3A_35 : i32
    %sign3A_37 = arith.constant 0 : i32
    %sign3A_38 = arith.cmpi sgt, %add3A, %sign3A_37 : i32
    %sign3A_39 = arith.extui %sign3A_38 : i1 to i32
    %sign3A_40 = arith.constant 0 : i32
    %sign3A_41 = arith.cmpi slt, %add3A, %sign3A_40 : i32
    %sign3A_42 = arith.extui %sign3A_41 : i1 to i32
    %sign3A_43 = arith.subi %sign3A_39, %sign3A_42 : i32
    %sign3A_44 = arith.constant 0 : i32
    %sign3A_45 = arith.cmpi sgt, %jit3A_35, %sign3A_44 : i32
    %sign3A_46 = arith.extui %sign3A_45 : i1 to i32
    %sign3A_47 = arith.constant 0 : i32
    %sign3A_48 = arith.cmpi slt, %jit3A_35, %sign3A_47 : i32
    %sign3A_49 = arith.extui %sign3A_48 : i1 to i32
    %sign3A_50 = arith.subi %sign3A_46, %sign3A_49 : i32
    %ne3A_51 = arith.cmpi ne, %sign3A_43, %sign3A_50 : i32
    %rem3A_52 = arith.remsi %add3A, %jit3A_35 : i32
    %ne3A_53 = arith.constant 0 : i32
    %ne3A_54 = arith.cmpi ne, %rem3A_52, %ne3A_53 : i32
    %and3A_55 = arith.andi %ne3A_51, %ne3A_54 : i1
    %sub3A_56 = arith.constant 1 : i32
    %sub3A_57 = arith.subi %div3A_36, %sub3A_56 : i32
    %select_n3A_58 = arith.select %and3A_55, %sub3A_57, %div3A_36 : i32
    %jit3A_59 = arith.constant 4 : i32
    %eq3A_60 = arith.constant 0 : i32
    %eq3A_61 = arith.cmpi eq, %jit3A_59, %eq3A_60 : i32
    %jit3A_62 = arith.constant 1 : i32
    %select_n3A_63 = arith.select %eq3A_61, %jit3A_62, %jit3A_59 : i32
    %rem3A_64 = arith.remsi %add3A, %select_n3A_63 : i32
    %ne3A_65 = arith.constant 0 : i32
    %ne3A_66 = arith.cmpi ne, %rem3A_64, %ne3A_65 : i32
    %lt3A_67 = arith.constant 0 : i32
    %lt3A_68 = arith.cmpi slt, %rem3A_64, %lt3A_67 : i32
    %lt3A_69 = arith.constant 0 : i32
    %lt3A_70 = arith.cmpi slt, %select_n3A_63, %lt3A_69 : i32
    %ne3A_71 = arith.xori %lt3A_68, %lt3A_70 : i1
    %and3A_72 = arith.andi %ne3A_71, %ne3A_66 : i1
    %add3A_73 = arith.addi %rem3A_64, %select_n3A_63 : i32
    %select_n3A_74 = arith.select %and3A_72, %add3A_73, %rem3A_64 : i32
    %mul3A_75 = arith.constant 8 : i32
    %mul3A_76 = arith.muli %select_n3A_74, %mul3A_75 : i32
    %convert_element_type3A = arith.extui %lt3A_34 : i1 to i32
    %cond3A = arith.constant 0 : i32
    %cond3A_77 = arith.cmpi ne, %convert_element_type3A, %cond3A : i32
    scf.if %cond3A_77 {
      %dma_start3A_948 = arith.constant 0 : i32
      %dma_start3A_949 = tpu.memref_slice %arg4[%mul3A_76, %dma_start3A_948] : memref<32x1024xf32, #tpu.memory_space<hbm>> -> memref<8x1024xf32, #tpu.memory_space<hbm>>
      %dma_start3A_950 = arith.constant 0 : i32
      %dma_start3A_951 = tpu.memref_slice %arg4[%mul3A_76, %dma_start3A_950] : memref<32x1024xf32, #tpu.memory_space<hbm>> -> memref<8x1024xf32, #tpu.memory_space<hbm>>
      tpu.enqueue_dma source(%dma_start3A_951 : memref<8x1024xf32, #tpu.memory_space<hbm>>) target(%arg8 : memref<8x1024xf32, #tpu.memory_space<vmem>>) target_semaphore(%arg21 : memref<!tpu.dma_semaphore, #tpu.memory_space<semaphore_mem>>)
    } else {
    }
    %mul3A_78 = arith.constant 256 : i32
    %mul3A_79 = arith.muli %add3A, %mul3A_78 : i32
    "tpu.region"() ({
      %run_scoped3A = tpu.sem_alloc : memref<!tpu.dma_semaphore, #tpu.memory_space<semaphore_mem>>
      %dma_start3A_948 = tpu.memref_slice %arg2[%mul3A_79] : memref<8192xi32, #tpu.memory_space<hbm>> -> memref<256xi32, #tpu.memory_space<hbm>>
      %dma_start3A_949 = tpu.memref_slice %arg2[%mul3A_79] : memref<8192xi32, #tpu.memory_space<hbm>> -> memref<256xi32, #tpu.memory_space<hbm>>
      tpu.enqueue_dma source(%dma_start3A_949 : memref<256xi32, #tpu.memory_space<hbm>>) target(%arg6 : memref<256xi32, #tpu.memory_space<vmem>>) target_semaphore(%run_scoped3A : memref<!tpu.dma_semaphore, #tpu.memory_space<semaphore_mem>>)
      %dma_wait3A_950 = tpu.memref_slice %arg2[%mul3A_79] : memref<8192xi32, #tpu.memory_space<hbm>> -> memref<256xi32, #tpu.memory_space<hbm>>
      %dma_wait3A_951 = tpu.memref_slice %arg2[%mul3A_79] : memref<8192xi32, #tpu.memory_space<hbm>> -> memref<256xi32, #tpu.memory_space<hbm>>
      tpu.wait_dma2 semaphore(%run_scoped3A : memref<!tpu.dma_semaphore, #tpu.memory_space<semaphore_mem>>) src(%dma_wait3A_951 : memref<256xi32, #tpu.memory_space<hbm>>) dst(%arg6 : memref<256xi32, #tpu.memory_space<vmem>>)
      tpu.yield
    }) : () -> ()
    %dma_start3A = arith.constant 0 : i32
    %dma_start3A_80 = arith.constant 0 : i32
    %dma_start3A_81 = arith.constant 0 : i32
    %dma_start3A_82 = tpu.memref_slice %arg7[%dma_start3A, %dma_start3A_80, %dma_start3A_81] : memref<6x16x1024xf32, #tpu.memory_space<vmem>> -> memref<1x16x1024xf32, #tpu.memory_space<vmem>>
    %dma_start3A_83 = tpu.memref_squeeze %dma_start3A_82 : memref<1x16x1024xf32, #tpu.memory_space<vmem>> -> memref<16x1024xf32, #tpu.memory_space<vmem>>
    %dma_start3A_84 = arith.constant 0 : i32
    %dma_start3A_85 = tpu.memref_slice %arg6[%dma_start3A_84] : memref<256xi32, #tpu.memory_space<vmem>> -> memref<16xi32, #tpu.memory_space<vmem>>
    %dma_start3A_86 = arith.constant 0 : i32
    %dma_start3A_87 = arith.constant 0 : i32
    %dma_start3A_88 = tpu.memref_slice %arg3[%dma_start3A_86, %dma_start3A_87] : memref<100000x1024xf32, #tpu.memory_space<hbm>> -> memref<100000x1024xf32, #tpu.memory_space<hbm>>
    tpu.enqueue_indirect_dma source(%dma_start3A_88 : memref<100000x1024xf32, #tpu.memory_space<hbm>>) target(%dma_start3A_83 : memref<16x1024xf32, #tpu.memory_space<vmem>>) offsets(%dma_start3A_85 : memref<16xi32, #tpu.memory_space<vmem>>) semaphore(%arg9 : memref<!tpu.dma_semaphore, #tpu.memory_space<semaphore_mem>>)
    %dma_start3A_89 = arith.constant 1 : i32
    %dma_start3A_90 = arith.constant 0 : i32
    %dma_start3A_91 = arith.constant 0 : i32
    %dma_start3A_92 = tpu.memref_slice %arg7[%dma_start3A_89, %dma_start3A_90, %dma_start3A_91] : memref<6x16x1024xf32, #tpu.memory_space<vmem>> -> memref<1x16x1024xf32, #tpu.memory_space<vmem>>
    %dma_start3A_93 = tpu.memref_squeeze %dma_start3A_92 : memref<1x16x1024xf32, #tpu.memory_space<vmem>> -> memref<16x1024xf32, #tpu.memory_space<vmem>>
    %dma_start3A_94 = arith.constant 16 : i32
    %dma_start3A_95 = tpu.memref_slice %arg6[%dma_start3A_94] : memref<256xi32, #tpu.memory_space<vmem>> -> memref<16xi32, #tpu.memory_space<vmem>>
    %dma_start3A_96 = arith.constant 0 : i32
    %dma_start3A_97 = arith.constant 0 : i32
    %dma_start3A_98 = tpu.memref_slice %arg3[%dma_start3A_96, %dma_start3A_97] : memref<100000x1024xf32, #tpu.memory_space<hbm>> -> memref<100000x1024xf32, #tpu.memory_space<hbm>>
    tpu.enqueue_indirect_dma source(%dma_start3A_98 : memref<100000x1024xf32, #tpu.memory_space<hbm>>) target(%dma_start3A_93 : memref<16x1024xf32, #tpu.memory_space<vmem>>) offsets(%dma_start3A_95 : memref<16xi32, #tpu.memory_space<vmem>>) semaphore(%arg10 : memref<!tpu.dma_semaphore, #tpu.memory_space<semaphore_mem>>)
    %dma_start3A_99 = arith.constant 2 : i32
    %dma_start3A_100 = arith.constant 0 : i32
    %dma_start3A_101 = arith.constant 0 : i32
    %dma_start3A_102 = tpu.memref_slice %arg7[%dma_start3A_99, %dma_start3A_100, %dma_start3A_101] : memref<6x16x1024xf32, #tpu.memory_space<vmem>> -> memref<1x16x1024xf32, #tpu.memory_space<vmem>>
    %dma_start3A_103 = tpu.memref_squeeze %dma_start3A_102 : memref<1x16x1024xf32, #tpu.memory_space<vmem>> -> memref<16x1024xf32, #tpu.memory_space<vmem>>
    %dma_start3A_104 = arith.constant 32 : i32
    %dma_start3A_105 = tpu.memref_slice %arg6[%dma_start3A_104] : memref<256xi32, #tpu.memory_space<vmem>> -> memref<16xi32, #tpu.memory_space<vmem>>
    %dma_start3A_106 = arith.constant 0 : i32
    %dma_start3A_107 = arith.constant 0 : i32
    %dma_start3A_108 = tpu.memref_slice %arg3[%dma_start3A_106, %dma_start3A_107] : memref<100000x1024xf32, #tpu.memory_space<hbm>> -> memref<100000x1024xf32, #tpu.memory_space<hbm>>
    tpu.enqueue_indirect_dma source(%dma_start3A_108 : memref<100000x1024xf32, #tpu.memory_space<hbm>>) target(%dma_start3A_103 : memref<16x1024xf32, #tpu.memory_space<vmem>>) offsets(%dma_start3A_105 : memref<16xi32, #tpu.memory_space<vmem>>) semaphore(%arg11 : memref<!tpu.dma_semaphore, #tpu.memory_space<semaphore_mem>>)
    %dma_start3A_109 = arith.constant 3 : i32
    %dma_start3A_110 = arith.constant 0 : i32
    %dma_start3A_111 = arith.constant 0 : i32
    %dma_start3A_112 = tpu.memref_slice %arg7[%dma_start3A_109, %dma_start3A_110, %dma_start3A_111] : memref<6x16x1024xf32, #tpu.memory_space<vmem>> -> memref<1x16x1024xf32, #tpu.memory_space<vmem>>
    %dma_start3A_113 = tpu.memref_squeeze %dma_start3A_112 : memref<1x16x1024xf32, #tpu.memory_space<vmem>> -> memref<16x1024xf32, #tpu.memory_space<vmem>>
    %dma_start3A_114 = arith.constant 48 : i32
    %dma_start3A_115 = tpu.memref_slice %arg6[%dma_start3A_114] : memref<256xi32, #tpu.memory_space<vmem>> -> memref<16xi32, #tpu.memory_space<vmem>>
    %dma_start3A_116 = arith.constant 0 : i32
    %dma_start3A_117 = arith.constant 0 : i32
    %dma_start3A_118 = tpu.memref_slice %arg3[%dma_start3A_116, %dma_start3A_117] : memref<100000x1024xf32, #tpu.memory_space<hbm>> -> memref<100000x1024xf32, #tpu.memory_space<hbm>>
    tpu.enqueue_indirect_dma source(%dma_start3A_118 : memref<100000x1024xf32, #tpu.memory_space<hbm>>) target(%dma_start3A_113 : memref<16x1024xf32, #tpu.memory_space<vmem>>) offsets(%dma_start3A_115 : memref<16xi32, #tpu.memory_space<vmem>>) semaphore(%arg12 : memref<!tpu.dma_semaphore, #tpu.memory_space<semaphore_mem>>)
    %dma_start3A_119 = arith.constant 4 : i32
    %dma_start3A_120 = arith.constant 0 : i32
    %dma_start3A_121 = arith.constant 0 : i32
    %dma_start3A_122 = tpu.memref_slice %arg7[%dma_start3A_119, %dma_start3A_120, %dma_start3A_121] : memref<6x16x1024xf32, #tpu.memory_space<vmem>> -> memref<1x16x1024xf32, #tpu.memory_space<vmem>>
    %dma_start3A_123 = tpu.memref_squeeze %dma_start3A_122 : memref<1x16x1024xf32, #tpu.memory_space<vmem>> -> memref<16x1024xf32, #tpu.memory_space<vmem>>
    %dma_start3A_124 = arith.constant 64 : i32
    %dma_start3A_125 = tpu.memref_slice %arg6[%dma_start3A_124] : memref<256xi32, #tpu.memory_space<vmem>> -> memref<16xi32, #tpu.memory_space<vmem>>
    %dma_start3A_126 = arith.constant 0 : i32
    %dma_start3A_127 = arith.constant 0 : i32
    %dma_start3A_128 = tpu.memref_slice %arg3[%dma_start3A_126, %dma_start3A_127] : memref<100000x1024xf32, #tpu.memory_space<hbm>> -> memref<100000x1024xf32, #tpu.memory_space<hbm>>
    tpu.enqueue_indirect_dma source(%dma_start3A_128 : memref<100000x1024xf32, #tpu.memory_space<hbm>>) target(%dma_start3A_123 : memref<16x1024xf32, #tpu.memory_space<vmem>>) offsets(%dma_start3A_125 : memref<16xi32, #tpu.memory_space<vmem>>) semaphore(%arg13 : memref<!tpu.dma_semaphore, #tpu.memory_space<semaphore_mem>>)
    %dma_wait3A = arith.constant 0 : i32
    %dma_wait3A_129 = arith.constant 0 : i32
    %dma_wait3A_130 = arith.constant 0 : i32
    %dma_wait3A_131 = tpu.memref_slice %arg7[%dma_wait3A, %dma_wait3A_129, %dma_wait3A_130] : memref<6x16x1024xf32, #tpu.memory_space<vmem>> -> memref<1x16x1024xf32, #tpu.memory_space<vmem>>
    %dma_wait3A_132 = tpu.memref_squeeze %dma_wait3A_131 : memref<1x16x1024xf32, #tpu.memory_space<vmem>> -> memref<16x1024xf32, #tpu.memory_space<vmem>>
    %dma_wait3A_133 = arith.constant 0 : i32
    %dma_wait3A_134 = tpu.memref_slice %arg6[%dma_wait3A_133] : memref<256xi32, #tpu.memory_space<vmem>> -> memref<16xi32, #tpu.memory_space<vmem>>
    %dma_wait3A_135 = arith.constant 0 : i32
    %dma_wait3A_136 = arith.constant 0 : i32
    %dma_wait3A_137 = tpu.memref_slice %arg3[%dma_wait3A_135, %dma_wait3A_136] : memref<100000x1024xf32, #tpu.memory_space<hbm>> -> memref<100000x1024xf32, #tpu.memory_space<hbm>>
    tpu.wait_indirect_dma semaphore(%arg9 : memref<!tpu.dma_semaphore, #tpu.memory_space<semaphore_mem>>) src(%dma_wait3A_137 : memref<100000x1024xf32, #tpu.memory_space<hbm>>) dst(%dma_wait3A_132 : memref<16x1024xf32, #tpu.memory_space<vmem>>)
    %add3A_138 = arith.constant 32 : i32
    %add3A_139 = arith.addi %add3A_138, %mul3A_32 : i32
    %add3A_140 = arith.constant 0 : i32
    %add3A_141 = arith.addi %add3A_139, %add3A_140 : i32
    %dma_start3A_142 = arith.constant 0 : i32
    %dma_start3A_143 = arith.constant 0 : i32
    %dma_start3A_144 = arith.constant 0 : i32
    %dma_start3A_145 = tpu.memref_slice %arg7[%dma_start3A_142, %dma_start3A_143, %dma_start3A_144] : memref<6x16x1024xf32, #tpu.memory_space<vmem>> -> memref<1x16x1024xf32, #tpu.memory_space<vmem>>
    %dma_start3A_146 = tpu.memref_squeeze %dma_start3A_145 : memref<1x16x1024xf32, #tpu.memory_space<vmem>> -> memref<16x1024xf32, #tpu.memory_space<vmem>>
    %dma_start3A_147 = arith.constant 0 : i32
    %dma_start3A_148 = tpu.memref_slice %arg5[%select_n3A, %add3A_141, %dma_start3A_147] : memref<4x2080x1024xf32, #tpu.memory_space<hbm>> -> memref<1x16x1024xf32, #tpu.memory_space<hbm>>
    %dma_start3A_149 = tpu.memref_squeeze %dma_start3A_148 : memref<1x16x1024xf32, #tpu.memory_space<hbm>> -> memref<16x1024xf32, #tpu.memory_space<hbm>>
    %dma_start3A_150 = arith.constant 0 : i32
    %dma_start3A_151 = tpu.memref_slice %arg5[%select_n3A, %add3A_141, %dma_start3A_150] : memref<4x2080x1024xf32, #tpu.memory_space<hbm>> -> memref<1x16x1024xf32, #tpu.memory_space<hbm>>
    %dma_start3A_152 = tpu.memref_squeeze %dma_start3A_151 : memref<1x16x1024xf32, #tpu.memory_space<hbm>> -> memref<16x1024xf32, #tpu.memory_space<hbm>>
    %dma_start3A_153 = arith.constant 0 : i32
    %dma_start3A_154 = arith.constant 0 : i32
    %dma_start3A_155 = tpu.memref_slice %arg7[%dma_start3A_142, %dma_start3A_153, %dma_start3A_154] : memref<6x16x1024xf32, #tpu.memory_space<vmem>> -> memref<1x16x1024xf32, #tpu.memory_space<vmem>>
    %dma_start3A_156 = tpu.memref_squeeze %dma_start3A_155 : memref<1x16x1024xf32, #tpu.memory_space<vmem>> -> memref<16x1024xf32, #tpu.memory_space<vmem>>
    tpu.enqueue_dma source(%dma_start3A_156 : memref<16x1024xf32, #tpu.memory_space<vmem>>) target(%dma_start3A_152 : memref<16x1024xf32, #tpu.memory_space<hbm>>) target_semaphore(%arg15 : memref<!tpu.dma_semaphore, #tpu.memory_space<semaphore_mem>>)
    %dma_start3A_157 = arith.constant 5 : i32
    %dma_start3A_158 = arith.constant 0 : i32
    %dma_start3A_159 = arith.constant 0 : i32
    %dma_start3A_160 = tpu.memref_slice %arg7[%dma_start3A_157, %dma_start3A_158, %dma_start3A_159] : memref<6x16x1024xf32, #tpu.memory_space<vmem>> -> memref<1x16x1024xf32, #tpu.memory_space<vmem>>
    %dma_start3A_161 = tpu.memref_squeeze %dma_start3A_160 : memref<1x16x1024xf32, #tpu.memory_space<vmem>> -> memref<16x1024xf32, #tpu.memory_space<vmem>>
    %dma_start3A_162 = arith.constant 80 : i32
    %dma_start3A_163 = tpu.memref_slice %arg6[%dma_start3A_162] : memref<256xi32, #tpu.memory_space<vmem>> -> memref<16xi32, #tpu.memory_space<vmem>>
    %dma_start3A_164 = arith.constant 0 : i32
    %dma_start3A_165 = arith.constant 0 : i32
    %dma_start3A_166 = tpu.memref_slice %arg3[%dma_start3A_164, %dma_start3A_165] : memref<100000x1024xf32, #tpu.memory_space<hbm>> -> memref<100000x1024xf32, #tpu.memory_space<hbm>>
    tpu.enqueue_indirect_dma source(%dma_start3A_166 : memref<100000x1024xf32, #tpu.memory_space<hbm>>) target(%dma_start3A_161 : memref<16x1024xf32, #tpu.memory_space<vmem>>) offsets(%dma_start3A_163 : memref<16xi32, #tpu.memory_space<vmem>>) semaphore(%arg14 : memref<!tpu.dma_semaphore, #tpu.memory_space<semaphore_mem>>)
    %dma_wait3A_167 = arith.constant 1 : i32
    %dma_wait3A_168 = arith.constant 0 : i32
    %dma_wait3A_169 = arith.constant 0 : i32
    %dma_wait3A_170 = tpu.memref_slice %arg7[%dma_wait3A_167, %dma_wait3A_168, %dma_wait3A_169] : memref<6x16x1024xf32, #tpu.memory_space<vmem>> -> memref<1x16x1024xf32, #tpu.memory_space<vmem>>
    %dma_wait3A_171 = tpu.memref_squeeze %dma_wait3A_170 : memref<1x16x1024xf32, #tpu.memory_space<vmem>> -> memref<16x1024xf32, #tpu.memory_space<vmem>>
    %dma_wait3A_172 = arith.constant 16 : i32
    %dma_wait3A_173 = tpu.memref_slice %arg6[%dma_wait3A_172] : memref<256xi32, #tpu.memory_space<vmem>> -> memref<16xi32, #tpu.memory_space<vmem>>
    %dma_wait3A_174 = arith.constant 0 : i32
    %dma_wait3A_175 = arith.constant 0 : i32
    %dma_wait3A_176 = tpu.memref_slice %arg3[%dma_wait3A_174, %dma_wait3A_175] : memref<100000x1024xf32, #tpu.memory_space<hbm>> -> memref<100000x1024xf32, #tpu.memory_space<hbm>>
    tpu.wait_indirect_dma semaphore(%arg10 : memref<!tpu.dma_semaphore, #tpu.memory_space<semaphore_mem>>) src(%dma_wait3A_176 : memref<100000x1024xf32, #tpu.memory_space<hbm>>) dst(%dma_wait3A_171 : memref<16x1024xf32, #tpu.memory_space<vmem>>)
    %add3A_177 = arith.constant 32 : i32
    %add3A_178 = arith.addi %add3A_177, %mul3A_32 : i32
    %add3A_179 = arith.constant 16 : i32
    %add3A_180 = arith.addi %add3A_178, %add3A_179 : i32
    %dma_start3A_181 = arith.constant 1 : i32
    %dma_start3A_182 = arith.constant 0 : i32
    %dma_start3A_183 = arith.constant 0 : i32
    %dma_start3A_184 = tpu.memref_slice %arg7[%dma_start3A_181, %dma_start3A_182, %dma_start3A_183] : memref<6x16x1024xf32, #tpu.memory_space<vmem>> -> memref<1x16x1024xf32, #tpu.memory_space<vmem>>
    %dma_start3A_185 = tpu.memref_squeeze %dma_start3A_184 : memref<1x16x1024xf32, #tpu.memory_space<vmem>> -> memref<16x1024xf32, #tpu.memory_space<vmem>>
    %dma_start3A_186 = arith.constant 0 : i32
    %dma_start3A_187 = tpu.memref_slice %arg5[%select_n3A, %add3A_180, %dma_start3A_186] : memref<4x2080x1024xf32, #tpu.memory_space<hbm>> -> memref<1x16x1024xf32, #tpu.memory_space<hbm>>
    %dma_start3A_188 = tpu.memref_squeeze %dma_start3A_187 : memref<1x16x1024xf32, #tpu.memory_space<hbm>> -> memref<16x1024xf32, #tpu.memory_space<hbm>>
    %dma_start3A_189 = arith.constant 0 : i32
    %dma_start3A_190 = tpu.memref_slice %arg5[%select_n3A, %add3A_180, %dma_start3A_189] : memref<4x2080x1024xf32, #tpu.memory_space<hbm>> -> memref<1x16x1024xf32, #tpu.memory_space<hbm>>
    %dma_start3A_191 = tpu.memref_squeeze %dma_start3A_190 : memref<1x16x1024xf32, #tpu.memory_space<hbm>> -> memref<16x1024xf32, #tpu.memory_space<hbm>>
    %dma_start3A_192 = arith.constant 0 : i32
    %dma_start3A_193 = arith.constant 0 : i32
    %dma_start3A_194 = tpu.memref_slice %arg7[%dma_start3A_181, %dma_start3A_192, %dma_start3A_193] : memref<6x16x1024xf32, #tpu.memory_space<vmem>> -> memref<1x16x1024xf32, #tpu.memory_space<vmem>>
    %dma_start3A_195 = tpu.memref_squeeze %dma_start3A_194 : memref<1x16x1024xf32, #tpu.memory_space<vmem>> -> memref<16x1024xf32, #tpu.memory_space<vmem>>
    tpu.enqueue_dma source(%dma_start3A_195 : memref<16x1024xf32, #tpu.memory_space<vmem>>) target(%dma_start3A_191 : memref<16x1024xf32, #tpu.memory_space<hbm>>) target_semaphore(%arg16 : memref<!tpu.dma_semaphore, #tpu.memory_space<semaphore_mem>>)
    %dma_wait3A_196 = arith.constant 0 : i32
    %dma_wait3A_197 = arith.constant 0 : i32
    %dma_wait3A_198 = arith.constant 0 : i32
    %dma_wait3A_199 = tpu.memref_slice %arg7[%dma_wait3A_196, %dma_wait3A_197, %dma_wait3A_198] : memref<6x16x1024xf32, #tpu.memory_space<vmem>> -> memref<1x16x1024xf32, #tpu.memory_space<vmem>>
    %dma_wait3A_200 = tpu.memref_squeeze %dma_wait3A_199 : memref<1x16x1024xf32, #tpu.memory_space<vmem>> -> memref<16x1024xf32, #tpu.memory_space<vmem>>
    %dma_wait3A_201 = arith.constant 0 : i32
    %dma_wait3A_202 = tpu.memref_slice %arg5[%select_n3A, %add3A_141, %dma_wait3A_201] : memref<4x2080x1024xf32, #tpu.memory_space<hbm>> -> memref<1x16x1024xf32, #tpu.memory_space<hbm>>
    %dma_wait3A_203 = tpu.memref_squeeze %dma_wait3A_202 : memref<1x16x1024xf32, #tpu.memory_space<hbm>> -> memref<16x1024xf32, #tpu.memory_space<hbm>>
    %dma_wait3A_204 = arith.constant 0 : i32
    %dma_wait3A_205 = tpu.memref_slice %arg5[%select_n3A, %add3A_141, %dma_wait3A_204] : memref<4x2080x1024xf32, #tpu.memory_space<hbm>> -> memref<1x16x1024xf32, #tpu.memory_space<hbm>>
    %dma_wait3A_206 = tpu.memref_squeeze %dma_wait3A_205 : memref<1x16x1024xf32, #tpu.memory_space<hbm>> -> memref<16x1024xf32, #tpu.memory_space<hbm>>
    %dma_wait3A_207 = arith.constant 0 : i32
    %dma_wait3A_208 = arith.constant 0 : i32
    %dma_wait3A_209 = tpu.memref_slice %arg7[%dma_wait3A_196, %dma_wait3A_207, %dma_wait3A_208] : memref<6x16x1024xf32, #tpu.memory_space<vmem>> -> memref<1x16x1024xf32, #tpu.memory_space<vmem>>
    %dma_wait3A_210 = tpu.memref_squeeze %dma_wait3A_209 : memref<1x16x1024xf32, #tpu.memory_space<vmem>> -> memref<16x1024xf32, #tpu.memory_space<vmem>>
    tpu.wait_dma2 semaphore(%arg15 : memref<!tpu.dma_semaphore, #tpu.memory_space<semaphore_mem>>) src(%dma_wait3A_210 : memref<16x1024xf32, #tpu.memory_space<vmem>>) dst(%dma_wait3A_206 : memref<16x1024xf32, #tpu.memory_space<hbm>>)
    %dma_start3A_211 = arith.constant 0 : i32
    %dma_start3A_212 = arith.constant 0 : i32
    %dma_start3A_213 = arith.constant 0 : i32
    %dma_start3A_214 = tpu.memref_slice %arg7[%dma_start3A_211, %dma_start3A_212, %dma_start3A_213] : memref<6x16x1024xf32, #tpu.memory_space<vmem>> -> memref<1x16x1024xf32, #tpu.memory_space<vmem>>
    %dma_start3A_215 = tpu.memref_squeeze %dma_start3A_214 : memref<1x16x1024xf32, #tpu.memory_space<vmem>> -> memref<16x1024xf32, #tpu.memory_space<vmem>>
    %dma_start3A_216 = arith.constant 96 : i32
    %dma_start3A_217 = tpu.memref_slice %arg6[%dma_start3A_216] : memref<256xi32, #tpu.memory_space<vmem>> -> memref<16xi32, #tpu.memory_space<vmem>>
    %dma_start3A_218 = arith.constant 0 : i32
    %dma_start3A_219 = arith.constant 0 : i32
    %dma_start3A_220 = tpu.memref_slice %arg3[%dma_start3A_218, %dma_start3A_219] : memref<100000x1024xf32, #tpu.memory_space<hbm>> -> memref<100000x1024xf32, #tpu.memory_space<hbm>>
    tpu.enqueue_indirect_dma source(%dma_start3A_220 : memref<100000x1024xf32, #tpu.memory_space<hbm>>) target(%dma_start3A_215 : memref<16x1024xf32, #tpu.memory_space<vmem>>) offsets(%dma_start3A_217 : memref<16xi32, #tpu.memory_space<vmem>>) semaphore(%arg9 : memref<!tpu.dma_semaphore, #tpu.memory_space<semaphore_mem>>)
    %dma_wait3A_221 = arith.constant 2 : i32
    %dma_wait3A_222 = arith.constant 0 : i32
    %dma_wait3A_223 = arith.constant 0 : i32
    %dma_wait3A_224 = tpu.memref_slice %arg7[%dma_wait3A_221, %dma_wait3A_222, %dma_wait3A_223] : memref<6x16x1024xf32, #tpu.memory_space<vmem>> -> memref<1x16x1024xf32, #tpu.memory_space<vmem>>
    %dma_wait3A_225 = tpu.memref_squeeze %dma_wait3A_224 : memref<1x16x1024xf32, #tpu.memory_space<vmem>> -> memref<16x1024xf32, #tpu.memory_space<vmem>>
    %dma_wait3A_226 = arith.constant 32 : i32
    %dma_wait3A_227 = tpu.memref_slice %arg6[%dma_wait3A_226] : memref<256xi32, #tpu.memory_space<vmem>> -> memref<16xi32, #tpu.memory_space<vmem>>
    %dma_wait3A_228 = arith.constant 0 : i32
    %dma_wait3A_229 = arith.constant 0 : i32
    %dma_wait3A_230 = tpu.memref_slice %arg3[%dma_wait3A_228, %dma_wait3A_229] : memref<100000x1024xf32, #tpu.memory_space<hbm>> -> memref<100000x1024xf32, #tpu.memory_space<hbm>>
    tpu.wait_indirect_dma semaphore(%arg11 : memref<!tpu.dma_semaphore, #tpu.memory_space<semaphore_mem>>) src(%dma_wait3A_230 : memref<100000x1024xf32, #tpu.memory_space<hbm>>) dst(%dma_wait3A_225 : memref<16x1024xf32, #tpu.memory_space<vmem>>)
    %add3A_231 = arith.constant 32 : i32
    %add3A_232 = arith.addi %add3A_231, %mul3A_32 : i32
    %add3A_233 = arith.constant 32 : i32
    %add3A_234 = arith.addi %add3A_232, %add3A_233 : i32
    %dma_start3A_235 = arith.constant 2 : i32
    %dma_start3A_236 = arith.constant 0 : i32
    %dma_start3A_237 = arith.constant 0 : i32
    %dma_start3A_238 = tpu.memref_slice %arg7[%dma_start3A_235, %dma_start3A_236, %dma_start3A_237] : memref<6x16x1024xf32, #tpu.memory_space<vmem>> -> memref<1x16x1024xf32, #tpu.memory_space<vmem>>
    %dma_start3A_239 = tpu.memref_squeeze %dma_start3A_238 : memref<1x16x1024xf32, #tpu.memory_space<vmem>> -> memref<16x1024xf32, #tpu.memory_space<vmem>>
    %dma_start3A_240 = arith.constant 0 : i32
    %dma_start3A_241 = tpu.memref_slice %arg5[%select_n3A, %add3A_234, %dma_start3A_240] : memref<4x2080x1024xf32, #tpu.memory_space<hbm>> -> memref<1x16x1024xf32, #tpu.memory_space<hbm>>
    %dma_start3A_242 = tpu.memref_squeeze %dma_start3A_241 : memref<1x16x1024xf32, #tpu.memory_space<hbm>> -> memref<16x1024xf32, #tpu.memory_space<hbm>>
    %dma_start3A_243 = arith.constant 0 : i32
    %dma_start3A_244 = tpu.memref_slice %arg5[%select_n3A, %add3A_234, %dma_start3A_243] : memref<4x2080x1024xf32, #tpu.memory_space<hbm>> -> memref<1x16x1024xf32, #tpu.memory_space<hbm>>
    %dma_start3A_245 = tpu.memref_squeeze %dma_start3A_244 : memref<1x16x1024xf32, #tpu.memory_space<hbm>> -> memref<16x1024xf32, #tpu.memory_space<hbm>>
    %dma_start3A_246 = arith.constant 0 : i32
    %dma_start3A_247 = arith.constant 0 : i32
    %dma_start3A_248 = tpu.memref_slice %arg7[%dma_start3A_235, %dma_start3A_246, %dma_start3A_247] : memref<6x16x1024xf32, #tpu.memory_space<vmem>> -> memref<1x16x1024xf32, #tpu.memory_space<vmem>>
    %dma_start3A_249 = tpu.memref_squeeze %dma_start3A_248 : memref<1x16x1024xf32, #tpu.memory_space<vmem>> -> memref<16x1024xf32, #tpu.memory_space<vmem>>
    tpu.enqueue_dma source(%dma_start3A_249 : memref<16x1024xf32, #tpu.memory_space<vmem>>) target(%dma_start3A_245 : memref<16x1024xf32, #tpu.memory_space<hbm>>) target_semaphore(%arg17 : memref<!tpu.dma_semaphore, #tpu.memory_space<semaphore_mem>>)
    %dma_wait3A_250 = arith.constant 1 : i32
    %dma_wait3A_251 = arith.constant 0 : i32
    %dma_wait3A_252 = arith.constant 0 : i32
    %dma_wait3A_253 = tpu.memref_slice %arg7[%dma_wait3A_250, %dma_wait3A_251, %dma_wait3A_252] : memref<6x16x1024xf32, #tpu.memory_space<vmem>> -> memref<1x16x1024xf32, #tpu.memory_space<vmem>>
    %dma_wait3A_254 = tpu.memref_squeeze %dma_wait3A_253 : memref<1x16x1024xf32, #tpu.memory_space<vmem>> -> memref<16x1024xf32, #tpu.memory_space<vmem>>
    %dma_wait3A_255 = arith.constant 0 : i32
    %dma_wait3A_256 = tpu.memref_slice %arg5[%select_n3A, %add3A_180, %dma_wait3A_255] : memref<4x2080x1024xf32, #tpu.memory_space<hbm>> -> memref<1x16x1024xf32, #tpu.memory_space<hbm>>
    %dma_wait3A_257 = tpu.memref_squeeze %dma_wait3A_256 : memref<1x16x1024xf32, #tpu.memory_space<hbm>> -> memref<16x1024xf32, #tpu.memory_space<hbm>>
    %dma_wait3A_258 = arith.constant 0 : i32
    %dma_wait3A_259 = tpu.memref_slice %arg5[%select_n3A, %add3A_180, %dma_wait3A_258] : memref<4x2080x1024xf32, #tpu.memory_space<hbm>> -> memref<1x16x1024xf32, #tpu.memory_space<hbm>>
    %dma_wait3A_260 = tpu.memref_squeeze %dma_wait3A_259 : memref<1x16x1024xf32, #tpu.memory_space<hbm>> -> memref<16x1024xf32, #tpu.memory_space<hbm>>
    %dma_wait3A_261 = arith.constant 0 : i32
    %dma_wait3A_262 = arith.constant 0 : i32
    %dma_wait3A_263 = tpu.memref_slice %arg7[%dma_wait3A_250, %dma_wait3A_261, %dma_wait3A_262] : memref<6x16x1024xf32, #tpu.memory_space<vmem>> -> memref<1x16x1024xf32, #tpu.memory_space<vmem>>
    %dma_wait3A_264 = tpu.memref_squeeze %dma_wait3A_263 : memref<1x16x1024xf32, #tpu.memory_space<vmem>> -> memref<16x1024xf32, #tpu.memory_space<vmem>>
    tpu.wait_dma2 semaphore(%arg16 : memref<!tpu.dma_semaphore, #tpu.memory_space<semaphore_mem>>) src(%dma_wait3A_264 : memref<16x1024xf32, #tpu.memory_space<vmem>>) dst(%dma_wait3A_260 : memref<16x1024xf32, #tpu.memory_space<hbm>>)
    %dma_start3A_265 = arith.constant 1 : i32
    %dma_start3A_266 = arith.constant 0 : i32
    %dma_start3A_267 = arith.constant 0 : i32
    %dma_start3A_268 = tpu.memref_slice %arg7[%dma_start3A_265, %dma_start3A_266, %dma_start3A_267] : memref<6x16x1024xf32, #tpu.memory_space<vmem>> -> memref<1x16x1024xf32, #tpu.memory_space<vmem>>
    %dma_start3A_269 = tpu.memref_squeeze %dma_start3A_268 : memref<1x16x1024xf32, #tpu.memory_space<vmem>> -> memref<16x1024xf32, #tpu.memory_space<vmem>>
    %dma_start3A_270 = arith.constant 112 : i32
    %dma_start3A_271 = tpu.memref_slice %arg6[%dma_start3A_270] : memref<256xi32, #tpu.memory_space<vmem>> -> memref<16xi32, #tpu.memory_space<vmem>>
    %dma_start3A_272 = arith.constant 0 : i32
    %dma_start3A_273 = arith.constant 0 : i32
    %dma_start3A_274 = tpu.memref_slice %arg3[%dma_start3A_272, %dma_start3A_273] : memref<100000x1024xf32, #tpu.memory_space<hbm>> -> memref<100000x1024xf32, #tpu.memory_space<hbm>>
    tpu.enqueue_indirect_dma source(%dma_start3A_274 : memref<100000x1024xf32, #tpu.memory_space<hbm>>) target(%dma_start3A_269 : memref<16x1024xf32, #tpu.memory_space<vmem>>) offsets(%dma_start3A_271 : memref<16xi32, #tpu.memory_space<vmem>>) semaphore(%arg10 : memref<!tpu.dma_semaphore, #tpu.memory_space<semaphore_mem>>)
    %dma_wait3A_275 = arith.constant 3 : i32
    %dma_wait3A_276 = arith.constant 0 : i32
    %dma_wait3A_277 = arith.constant 0 : i32
    %dma_wait3A_278 = tpu.memref_slice %arg7[%dma_wait3A_275, %dma_wait3A_276, %dma_wait3A_277] : memref<6x16x1024xf32, #tpu.memory_space<vmem>> -> memref<1x16x1024xf32, #tpu.memory_space<vmem>>
    %dma_wait3A_279 = tpu.memref_squeeze %dma_wait3A_278 : memref<1x16x1024xf32, #tpu.memory_space<vmem>> -> memref<16x1024xf32, #tpu.memory_space<vmem>>
    %dma_wait3A_280 = arith.constant 48 : i32
    %dma_wait3A_281 = tpu.memref_slice %arg6[%dma_wait3A_280] : memref<256xi32, #tpu.memory_space<vmem>> -> memref<16xi32, #tpu.memory_space<vmem>>
    %dma_wait3A_282 = arith.constant 0 : i32
    %dma_wait3A_283 = arith.constant 0 : i32
    %dma_wait3A_284 = tpu.memref_slice %arg3[%dma_wait3A_282, %dma_wait3A_283] : memref<100000x1024xf32, #tpu.memory_space<hbm>> -> memref<100000x1024xf32, #tpu.memory_space<hbm>>
    tpu.wait_indirect_dma semaphore(%arg12 : memref<!tpu.dma_semaphore, #tpu.memory_space<semaphore_mem>>) src(%dma_wait3A_284 : memref<100000x1024xf32, #tpu.memory_space<hbm>>) dst(%dma_wait3A_279 : memref<16x1024xf32, #tpu.memory_space<vmem>>)
    %add3A_285 = arith.constant 32 : i32
    %add3A_286 = arith.addi %add3A_285, %mul3A_32 : i32
    %add3A_287 = arith.constant 48 : i32
    %add3A_288 = arith.addi %add3A_286, %add3A_287 : i32
    %dma_start3A_289 = arith.constant 3 : i32
    %dma_start3A_290 = arith.constant 0 : i32
    %dma_start3A_291 = arith.constant 0 : i32
    %dma_start3A_292 = tpu.memref_slice %arg7[%dma_start3A_289, %dma_start3A_290, %dma_start3A_291] : memref<6x16x1024xf32, #tpu.memory_space<vmem>> -> memref<1x16x1024xf32, #tpu.memory_space<vmem>>
    %dma_start3A_293 = tpu.memref_squeeze %dma_start3A_292 : memref<1x16x1024xf32, #tpu.memory_space<vmem>> -> memref<16x1024xf32, #tpu.memory_space<vmem>>
    %dma_start3A_294 = arith.constant 0 : i32
    %dma_start3A_295 = tpu.memref_slice %arg5[%select_n3A, %add3A_288, %dma_start3A_294] : memref<4x2080x1024xf32, #tpu.memory_space<hbm>> -> memref<1x16x1024xf32, #tpu.memory_space<hbm>>
    %dma_start3A_296 = tpu.memref_squeeze %dma_start3A_295 : memref<1x16x1024xf32, #tpu.memory_space<hbm>> -> memref<16x1024xf32, #tpu.memory_space<hbm>>
    %dma_start3A_297 = arith.constant 0 : i32
    %dma_start3A_298 = tpu.memref_slice %arg5[%select_n3A, %add3A_288, %dma_start3A_297] : memref<4x2080x1024xf32, #tpu.memory_space<hbm>> -> memref<1x16x1024xf32, #tpu.memory_space<hbm>>
    %dma_start3A_299 = tpu.memref_squeeze %dma_start3A_298 : memref<1x16x1024xf32, #tpu.memory_space<hbm>> -> memref<16x1024xf32, #tpu.memory_space<hbm>>
    %dma_start3A_300 = arith.constant 0 : i32
    %dma_start3A_301 = arith.constant 0 : i32
    %dma_start3A_302 = tpu.memref_slice %arg7[%dma_start3A_289, %dma_start3A_300, %dma_start3A_301] : memref<6x16x1024xf32, #tpu.memory_space<vmem>> -> memref<1x16x1024xf32, #tpu.memory_space<vmem>>
    %dma_start3A_303 = tpu.memref_squeeze %dma_start3A_302 : memref<1x16x1024xf32, #tpu.memory_space<vmem>> -> memref<16x1024xf32, #tpu.memory_space<vmem>>
    tpu.enqueue_dma source(%dma_start3A_303 : memref<16x1024xf32, #tpu.memory_space<vmem>>) target(%dma_start3A_299 : memref<16x1024xf32, #tpu.memory_space<hbm>>) target_semaphore(%arg18 : memref<!tpu.dma_semaphore, #tpu.memory_space<semaphore_mem>>)
    %dma_wait3A_304 = arith.constant 2 : i32
    %dma_wait3A_305 = arith.constant 0 : i32
    %dma_wait3A_306 = arith.constant 0 : i32
    %dma_wait3A_307 = tpu.memref_slice %arg7[%dma_wait3A_304, %dma_wait3A_305, %dma_wait3A_306] : memref<6x16x1024xf32, #tpu.memory_space<vmem>> -> memref<1x16x1024xf32, #tpu.memory_space<vmem>>
    %dma_wait3A_308 = tpu.memref_squeeze %dma_wait3A_307 : memref<1x16x1024xf32, #tpu.memory_space<vmem>> -> memref<16x1024xf32, #tpu.memory_space<vmem>>
    %dma_wait3A_309 = arith.constant 0 : i32
    %dma_wait3A_310 = tpu.memref_slice %arg5[%select_n3A, %add3A_234, %dma_wait3A_309] : memref<4x2080x1024xf32, #tpu.memory_space<hbm>> -> memref<1x16x1024xf32, #tpu.memory_space<hbm>>
    %dma_wait3A_311 = tpu.memref_squeeze %dma_wait3A_310 : memref<1x16x1024xf32, #tpu.memory_space<hbm>> -> memref<16x1024xf32, #tpu.memory_space<hbm>>
    %dma_wait3A_312 = arith.constant 0 : i32
    %dma_wait3A_313 = tpu.memref_slice %arg5[%select_n3A, %add3A_234, %dma_wait3A_312] : memref<4x2080x1024xf32, #tpu.memory_space<hbm>> -> memref<1x16x1024xf32, #tpu.memory_space<hbm>>
    %dma_wait3A_314 = tpu.memref_squeeze %dma_wait3A_313 : memref<1x16x1024xf32, #tpu.memory_space<hbm>> -> memref<16x1024xf32, #tpu.memory_space<hbm>>
    %dma_wait3A_315 = arith.constant 0 : i32
    %dma_wait3A_316 = arith.constant 0 : i32
    %dma_wait3A_317 = tpu.memref_slice %arg7[%dma_wait3A_304, %dma_wait3A_315, %dma_wait3A_316] : memref<6x16x1024xf32, #tpu.memory_space<vmem>> -> memref<1x16x1024xf32, #tpu.memory_space<vmem>>
    %dma_wait3A_318 = tpu.memref_squeeze %dma_wait3A_317 : memref<1x16x1024xf32, #tpu.memory_space<vmem>> -> memref<16x1024xf32, #tpu.memory_space<vmem>>
    tpu.wait_dma2 semaphore(%arg17 : memref<!tpu.dma_semaphore, #tpu.memory_space<semaphore_mem>>) src(%dma_wait3A_318 : memref<16x1024xf32, #tpu.memory_space<vmem>>) dst(%dma_wait3A_314 : memref<16x1024xf32, #tpu.memory_space<hbm>>)
    %dma_start3A_319 = arith.constant 2 : i32
    %dma_start3A_320 = arith.constant 0 : i32
    %dma_start3A_321 = arith.constant 0 : i32
    %dma_start3A_322 = tpu.memref_slice %arg7[%dma_start3A_319, %dma_start3A_320, %dma_start3A_321] : memref<6x16x1024xf32, #tpu.memory_space<vmem>> -> memref<1x16x1024xf32, #tpu.memory_space<vmem>>
    %dma_start3A_323 = tpu.memref_squeeze %dma_start3A_322 : memref<1x16x1024xf32, #tpu.memory_space<vmem>> -> memref<16x1024xf32, #tpu.memory_space<vmem>>
    %dma_start3A_324 = arith.constant 128 : i32
    %dma_start3A_325 = tpu.memref_slice %arg6[%dma_start3A_324] : memref<256xi32, #tpu.memory_space<vmem>> -> memref<16xi32, #tpu.memory_space<vmem>>
    %dma_start3A_326 = arith.constant 0 : i32
    %dma_start3A_327 = arith.constant 0 : i32
    %dma_start3A_328 = tpu.memref_slice %arg3[%dma_start3A_326, %dma_start3A_327] : memref<100000x1024xf32, #tpu.memory_space<hbm>> -> memref<100000x1024xf32, #tpu.memory_space<hbm>>
    tpu.enqueue_indirect_dma source(%dma_start3A_328 : memref<100000x1024xf32, #tpu.memory_space<hbm>>) target(%dma_start3A_323 : memref<16x1024xf32, #tpu.memory_space<vmem>>) offsets(%dma_start3A_325 : memref<16xi32, #tpu.memory_space<vmem>>) semaphore(%arg11 : memref<!tpu.dma_semaphore, #tpu.memory_space<semaphore_mem>>)
    %dma_wait3A_329 = arith.constant 4 : i32
    %dma_wait3A_330 = arith.constant 0 : i32
    %dma_wait3A_331 = arith.constant 0 : i32
    %dma_wait3A_332 = tpu.memref_slice %arg7[%dma_wait3A_329, %dma_wait3A_330, %dma_wait3A_331] : memref<6x16x1024xf32, #tpu.memory_space<vmem>> -> memref<1x16x1024xf32, #tpu.memory_space<vmem>>
    %dma_wait3A_333 = tpu.memref_squeeze %dma_wait3A_332 : memref<1x16x1024xf32, #tpu.memory_space<vmem>> -> memref<16x1024xf32, #tpu.memory_space<vmem>>
    %dma_wait3A_334 = arith.constant 64 : i32
    %dma_wait3A_335 = tpu.memref_slice %arg6[%dma_wait3A_334] : memref<256xi32, #tpu.memory_space<vmem>> -> memref<16xi32, #tpu.memory_space<vmem>>
    %dma_wait3A_336 = arith.constant 0 : i32
    %dma_wait3A_337 = arith.constant 0 : i32
    %dma_wait3A_338 = tpu.memref_slice %arg3[%dma_wait3A_336, %dma_wait3A_337] : memref<100000x1024xf32, #tpu.memory_space<hbm>> -> memref<100000x1024xf32, #tpu.memory_space<hbm>>
    tpu.wait_indirect_dma semaphore(%arg13 : memref<!tpu.dma_semaphore, #tpu.memory_space<semaphore_mem>>) src(%dma_wait3A_338 : memref<100000x1024xf32, #tpu.memory_space<hbm>>) dst(%dma_wait3A_333 : memref<16x1024xf32, #tpu.memory_space<vmem>>)
    %add3A_339 = arith.constant 32 : i32
    %add3A_340 = arith.addi %add3A_339, %mul3A_32 : i32
    %add3A_341 = arith.constant 64 : i32
    %add3A_342 = arith.addi %add3A_340, %add3A_341 : i32
    %dma_start3A_343 = arith.constant 4 : i32
    %dma_start3A_344 = arith.constant 0 : i32
    %dma_start3A_345 = arith.constant 0 : i32
    %dma_start3A_346 = tpu.memref_slice %arg7[%dma_start3A_343, %dma_start3A_344, %dma_start3A_345] : memref<6x16x1024xf32, #tpu.memory_space<vmem>> -> memref<1x16x1024xf32, #tpu.memory_space<vmem>>
    %dma_start3A_347 = tpu.memref_squeeze %dma_start3A_346 : memref<1x16x1024xf32, #tpu.memory_space<vmem>> -> memref<16x1024xf32, #tpu.memory_space<vmem>>
    %dma_start3A_348 = arith.constant 0 : i32
    %dma_start3A_349 = tpu.memref_slice %arg5[%select_n3A, %add3A_342, %dma_start3A_348] : memref<4x2080x1024xf32, #tpu.memory_space<hbm>> -> memref<1x16x1024xf32, #tpu.memory_space<hbm>>
    %dma_start3A_350 = tpu.memref_squeeze %dma_start3A_349 : memref<1x16x1024xf32, #tpu.memory_space<hbm>> -> memref<16x1024xf32, #tpu.memory_space<hbm>>
    %dma_start3A_351 = arith.constant 0 : i32
    %dma_start3A_352 = tpu.memref_slice %arg5[%select_n3A, %add3A_342, %dma_start3A_351] : memref<4x2080x1024xf32, #tpu.memory_space<hbm>> -> memref<1x16x1024xf32, #tpu.memory_space<hbm>>
    %dma_start3A_353 = tpu.memref_squeeze %dma_start3A_352 : memref<1x16x1024xf32, #tpu.memory_space<hbm>> -> memref<16x1024xf32, #tpu.memory_space<hbm>>
    %dma_start3A_354 = arith.constant 0 : i32
    %dma_start3A_355 = arith.constant 0 : i32
    %dma_start3A_356 = tpu.memref_slice %arg7[%dma_start3A_343, %dma_start3A_354, %dma_start3A_355] : memref<6x16x1024xf32, #tpu.memory_space<vmem>> -> memref<1x16x1024xf32, #tpu.memory_space<vmem>>
    %dma_start3A_357 = tpu.memref_squeeze %dma_start3A_356 : memref<1x16x1024xf32, #tpu.memory_space<vmem>> -> memref<16x1024xf32, #tpu.memory_space<vmem>>
    tpu.enqueue_dma source(%dma_start3A_357 : memref<16x1024xf32, #tpu.memory_space<vmem>>) target(%dma_start3A_353 : memref<16x1024xf32, #tpu.memory_space<hbm>>) target_semaphore(%arg19 : memref<!tpu.dma_semaphore, #tpu.memory_space<semaphore_mem>>)
    %dma_wait3A_358 = arith.constant 3 : i32
    %dma_wait3A_359 = arith.constant 0 : i32
    %dma_wait3A_360 = arith.constant 0 : i32
    %dma_wait3A_361 = tpu.memref_slice %arg7[%dma_wait3A_358, %dma_wait3A_359, %dma_wait3A_360] : memref<6x16x1024xf32, #tpu.memory_space<vmem>> -> memref<1x16x1024xf32, #tpu.memory_space<vmem>>
    %dma_wait3A_362 = tpu.memref_squeeze %dma_wait3A_361 : memref<1x16x1024xf32, #tpu.memory_space<vmem>> -> memref<16x1024xf32, #tpu.memory_space<vmem>>
    %dma_wait3A_363 = arith.constant 0 : i32
    %dma_wait3A_364 = tpu.memref_slice %arg5[%select_n3A, %add3A_288, %dma_wait3A_363] : memref<4x2080x1024xf32, #tpu.memory_space<hbm>> -> memref<1x16x1024xf32, #tpu.memory_space<hbm>>
    %dma_wait3A_365 = tpu.memref_squeeze %dma_wait3A_364 : memref<1x16x1024xf32, #tpu.memory_space<hbm>> -> memref<16x1024xf32, #tpu.memory_space<hbm>>
    %dma_wait3A_366 = arith.constant 0 : i32
    %dma_wait3A_367 = tpu.memref_slice %arg5[%select_n3A, %add3A_288, %dma_wait3A_366] : memref<4x2080x1024xf32, #tpu.memory_space<hbm>> -> memref<1x16x1024xf32, #tpu.memory_space<hbm>>
    %dma_wait3A_368 = tpu.memref_squeeze %dma_wait3A_367 : memref<1x16x1024xf32, #tpu.memory_space<hbm>> -> memref<16x1024xf32, #tpu.memory_space<hbm>>
    %dma_wait3A_369 = arith.constant 0 : i32
    %dma_wait3A_370 = arith.constant 0 : i32
    %dma_wait3A_371 = tpu.memref_slice %arg7[%dma_wait3A_358, %dma_wait3A_369, %dma_wait3A_370] : memref<6x16x1024xf32, #tpu.memory_space<vmem>> -> memref<1x16x1024xf32, #tpu.memory_space<vmem>>
    %dma_wait3A_372 = tpu.memref_squeeze %dma_wait3A_371 : memref<1x16x1024xf32, #tpu.memory_space<vmem>> -> memref<16x1024xf32, #tpu.memory_space<vmem>>
    tpu.wait_dma2 semaphore(%arg18 : memref<!tpu.dma_semaphore, #tpu.memory_space<semaphore_mem>>) src(%dma_wait3A_372 : memref<16x1024xf32, #tpu.memory_space<vmem>>) dst(%dma_wait3A_368 : memref<16x1024xf32, #tpu.memory_space<hbm>>)
    %dma_start3A_373 = arith.constant 3 : i32
    %dma_start3A_374 = arith.constant 0 : i32
    %dma_start3A_375 = arith.constant 0 : i32
    %dma_start3A_376 = tpu.memref_slice %arg7[%dma_start3A_373, %dma_start3A_374, %dma_start3A_375] : memref<6x16x1024xf32, #tpu.memory_space<vmem>> -> memref<1x16x1024xf32, #tpu.memory_space<vmem>>
    %dma_start3A_377 = tpu.memref_squeeze %dma_start3A_376 : memref<1x16x1024xf32, #tpu.memory_space<vmem>> -> memref<16x1024xf32, #tpu.memory_space<vmem>>
    %dma_start3A_378 = arith.constant 144 : i32
    %dma_start3A_379 = tpu.memref_slice %arg6[%dma_start3A_378] : memref<256xi32, #tpu.memory_space<vmem>> -> memref<16xi32, #tpu.memory_space<vmem>>
    %dma_start3A_380 = arith.constant 0 : i32
    %dma_start3A_381 = arith.constant 0 : i32
    %dma_start3A_382 = tpu.memref_slice %arg3[%dma_start3A_380, %dma_start3A_381] : memref<100000x1024xf32, #tpu.memory_space<hbm>> -> memref<100000x1024xf32, #tpu.memory_space<hbm>>
    tpu.enqueue_indirect_dma source(%dma_start3A_382 : memref<100000x1024xf32, #tpu.memory_space<hbm>>) target(%dma_start3A_377 : memref<16x1024xf32, #tpu.memory_space<vmem>>) offsets(%dma_start3A_379 : memref<16xi32, #tpu.memory_space<vmem>>) semaphore(%arg12 : memref<!tpu.dma_semaphore, #tpu.memory_space<semaphore_mem>>)
    %dma_wait3A_383 = arith.constant 5 : i32
    %dma_wait3A_384 = arith.constant 0 : i32
    %dma_wait3A_385 = arith.constant 0 : i32
    %dma_wait3A_386 = tpu.memref_slice %arg7[%dma_wait3A_383, %dma_wait3A_384, %dma_wait3A_385] : memref<6x16x1024xf32, #tpu.memory_space<vmem>> -> memref<1x16x1024xf32, #tpu.memory_space<vmem>>
    %dma_wait3A_387 = tpu.memref_squeeze %dma_wait3A_386 : memref<1x16x1024xf32, #tpu.memory_space<vmem>> -> memref<16x1024xf32, #tpu.memory_space<vmem>>
    %dma_wait3A_388 = arith.constant 80 : i32
    %dma_wait3A_389 = tpu.memref_slice %arg6[%dma_wait3A_388] : memref<256xi32, #tpu.memory_space<vmem>> -> memref<16xi32, #tpu.memory_space<vmem>>
    %dma_wait3A_390 = arith.constant 0 : i32
    %dma_wait3A_391 = arith.constant 0 : i32
    %dma_wait3A_392 = tpu.memref_slice %arg3[%dma_wait3A_390, %dma_wait3A_391] : memref<100000x1024xf32, #tpu.memory_space<hbm>> -> memref<100000x1024xf32, #tpu.memory_space<hbm>>
    tpu.wait_indirect_dma semaphore(%arg14 : memref<!tpu.dma_semaphore, #tpu.memory_space<semaphore_mem>>) src(%dma_wait3A_392 : memref<100000x1024xf32, #tpu.memory_space<hbm>>) dst(%dma_wait3A_387 : memref<16x1024xf32, #tpu.memory_space<vmem>>)
    %add3A_393 = arith.constant 32 : i32
    %add3A_394 = arith.addi %add3A_393, %mul3A_32 : i32
    %add3A_395 = arith.constant 80 : i32
    %add3A_396 = arith.addi %add3A_394, %add3A_395 : i32
    %dma_start3A_397 = arith.constant 5 : i32
    %dma_start3A_398 = arith.constant 0 : i32
    %dma_start3A_399 = arith.constant 0 : i32
    %dma_start3A_400 = tpu.memref_slice %arg7[%dma_start3A_397, %dma_start3A_398, %dma_start3A_399] : memref<6x16x1024xf32, #tpu.memory_space<vmem>> -> memref<1x16x1024xf32, #tpu.memory_space<vmem>>
    %dma_start3A_401 = tpu.memref_squeeze %dma_start3A_400 : memref<1x16x1024xf32, #tpu.memory_space<vmem>> -> memref<16x1024xf32, #tpu.memory_space<vmem>>
    %dma_start3A_402 = arith.constant 0 : i32
    %dma_start3A_403 = tpu.memref_slice %arg5[%select_n3A, %add3A_396, %dma_start3A_402] : memref<4x2080x1024xf32, #tpu.memory_space<hbm>> -> memref<1x16x1024xf32, #tpu.memory_space<hbm>>
    %dma_start3A_404 = tpu.memref_squeeze %dma_start3A_403 : memref<1x16x1024xf32, #tpu.memory_space<hbm>> -> memref<16x1024xf32, #tpu.memory_space<hbm>>
    %dma_start3A_405 = arith.constant 0 : i32
    %dma_start3A_406 = tpu.memref_slice %arg5[%select_n3A, %add3A_396, %dma_start3A_405] : memref<4x2080x1024xf32, #tpu.memory_space<hbm>> -> memref<1x16x1024xf32, #tpu.memory_space<hbm>>
    %dma_start3A_407 = tpu.memref_squeeze %dma_start3A_406 : memref<1x16x1024xf32, #tpu.memory_space<hbm>> -> memref<16x1024xf32, #tpu.memory_space<hbm>>
    %dma_start3A_408 = arith.constant 0 : i32
    %dma_start3A_409 = arith.constant 0 : i32
    %dma_start3A_410 = tpu.memref_slice %arg7[%dma_start3A_397, %dma_start3A_408, %dma_start3A_409] : memref<6x16x1024xf32, #tpu.memory_space<vmem>> -> memref<1x16x1024xf32, #tpu.memory_space<vmem>>
    %dma_start3A_411 = tpu.memref_squeeze %dma_start3A_410 : memref<1x16x1024xf32, #tpu.memory_space<vmem>> -> memref<16x1024xf32, #tpu.memory_space<vmem>>
    tpu.enqueue_dma source(%dma_start3A_411 : memref<16x1024xf32, #tpu.memory_space<vmem>>) target(%dma_start3A_407 : memref<16x1024xf32, #tpu.memory_space<hbm>>) target_semaphore(%arg20 : memref<!tpu.dma_semaphore, #tpu.memory_space<semaphore_mem>>)
    %dma_wait3A_412 = arith.constant 4 : i32
    %dma_wait3A_413 = arith.constant 0 : i32
    %dma_wait3A_414 = arith.constant 0 : i32
    %dma_wait3A_415 = tpu.memref_slice %arg7[%dma_wait3A_412, %dma_wait3A_413, %dma_wait3A_414] : memref<6x16x1024xf32, #tpu.memory_space<vmem>> -> memref<1x16x1024xf32, #tpu.memory_space<vmem>>
    %dma_wait3A_416 = tpu.memref_squeeze %dma_wait3A_415 : memref<1x16x1024xf32, #tpu.memory_space<vmem>> -> memref<16x1024xf32, #tpu.memory_space<vmem>>
    %dma_wait3A_417 = arith.constant 0 : i32
    %dma_wait3A_418 = tpu.memref_slice %arg5[%select_n3A, %add3A_342, %dma_wait3A_417] : memref<4x2080x1024xf32, #tpu.memory_space<hbm>> -> memref<1x16x1024xf32, #tpu.memory_space<hbm>>
    %dma_wait3A_419 = tpu.memref_squeeze %dma_wait3A_418 : memref<1x16x1024xf32, #tpu.memory_space<hbm>> -> memref<16x1024xf32, #tpu.memory_space<hbm>>
    %dma_wait3A_420 = arith.constant 0 : i32
    %dma_wait3A_421 = tpu.memref_slice %arg5[%select_n3A, %add3A_342, %dma_wait3A_420] : memref<4x2080x1024xf32, #tpu.memory_space<hbm>> -> memref<1x16x1024xf32, #tpu.memory_space<hbm>>
    %dma_wait3A_422 = tpu.memref_squeeze %dma_wait3A_421 : memref<1x16x1024xf32, #tpu.memory_space<hbm>> -> memref<16x1024xf32, #tpu.memory_space<hbm>>
    %dma_wait3A_423 = arith.constant 0 : i32
    %dma_wait3A_424 = arith.constant 0 : i32
    %dma_wait3A_425 = tpu.memref_slice %arg7[%dma_wait3A_412, %dma_wait3A_423, %dma_wait3A_424] : memref<6x16x1024xf32, #tpu.memory_space<vmem>> -> memref<1x16x1024xf32, #tpu.memory_space<vmem>>
    %dma_wait3A_426 = tpu.memref_squeeze %dma_wait3A_425 : memref<1x16x1024xf32, #tpu.memory_space<vmem>> -> memref<16x1024xf32, #tpu.memory_space<vmem>>
    tpu.wait_dma2 semaphore(%arg19 : memref<!tpu.dma_semaphore, #tpu.memory_space<semaphore_mem>>) src(%dma_wait3A_426 : memref<16x1024xf32, #tpu.memory_space<vmem>>) dst(%dma_wait3A_422 : memref<16x1024xf32, #tpu.memory_space<hbm>>)
    %dma_start3A_427 = arith.constant 4 : i32
    %dma_start3A_428 = arith.constant 0 : i32
    %dma_start3A_429 = arith.constant 0 : i32
    %dma_start3A_430 = tpu.memref_slice %arg7[%dma_start3A_427, %dma_start3A_428, %dma_start3A_429] : memref<6x16x1024xf32, #tpu.memory_space<vmem>> -> memref<1x16x1024xf32, #tpu.memory_space<vmem>>
    %dma_start3A_431 = tpu.memref_squeeze %dma_start3A_430 : memref<1x16x1024xf32, #tpu.memory_space<vmem>> -> memref<16x1024xf32, #tpu.memory_space<vmem>>
    %dma_start3A_432 = arith.constant 160 : i32
    %dma_start3A_433 = tpu.memref_slice %arg6[%dma_start3A_432] : memref<256xi32, #tpu.memory_space<vmem>> -> memref<16xi32, #tpu.memory_space<vmem>>
    %dma_start3A_434 = arith.constant 0 : i32
    %dma_start3A_435 = arith.constant 0 : i32
    %dma_start3A_436 = tpu.memref_slice %arg3[%dma_start3A_434, %dma_start3A_435] : memref<100000x1024xf32, #tpu.memory_space<hbm>> -> memref<100000x1024xf32, #tpu.memory_space<hbm>>
    tpu.enqueue_indirect_dma source(%dma_start3A_436 : memref<100000x1024xf32, #tpu.memory_space<hbm>>) target(%dma_start3A_431 : memref<16x1024xf32, #tpu.memory_space<vmem>>) offsets(%dma_start3A_433 : memref<16xi32, #tpu.memory_space<vmem>>) semaphore(%arg13 : memref<!tpu.dma_semaphore, #tpu.memory_space<semaphore_mem>>)
    %dma_wait3A_437 = arith.constant 0 : i32
    %dma_wait3A_438 = arith.constant 0 : i32
    %dma_wait3A_439 = arith.constant 0 : i32
    %dma_wait3A_440 = tpu.memref_slice %arg7[%dma_wait3A_437, %dma_wait3A_438, %dma_wait3A_439] : memref<6x16x1024xf32, #tpu.memory_space<vmem>> -> memref<1x16x1024xf32, #tpu.memory_space<vmem>>
    %dma_wait3A_441 = tpu.memref_squeeze %dma_wait3A_440 : memref<1x16x1024xf32, #tpu.memory_space<vmem>> -> memref<16x1024xf32, #tpu.memory_space<vmem>>
    %dma_wait3A_442 = arith.constant 96 : i32
    %dma_wait3A_443 = tpu.memref_slice %arg6[%dma_wait3A_442] : memref<256xi32, #tpu.memory_space<vmem>> -> memref<16xi32, #tpu.memory_space<vmem>>
    %dma_wait3A_444 = arith.constant 0 : i32
    %dma_wait3A_445 = arith.constant 0 : i32
    %dma_wait3A_446 = tpu.memref_slice %arg3[%dma_wait3A_444, %dma_wait3A_445] : memref<100000x1024xf32, #tpu.memory_space<hbm>> -> memref<100000x1024xf32, #tpu.memory_space<hbm>>
    tpu.wait_indirect_dma semaphore(%arg9 : memref<!tpu.dma_semaphore, #tpu.memory_space<semaphore_mem>>) src(%dma_wait3A_446 : memref<100000x1024xf32, #tpu.memory_space<hbm>>) dst(%dma_wait3A_441 : memref<16x1024xf32, #tpu.memory_space<vmem>>)
    %add3A_447 = arith.constant 32 : i32
    %add3A_448 = arith.addi %add3A_447, %mul3A_32 : i32
    %add3A_449 = arith.constant 96 : i32
    %add3A_450 = arith.addi %add3A_448, %add3A_449 : i32
    %dma_start3A_451 = arith.constant 0 : i32
    %dma_start3A_452 = arith.constant 0 : i32
    %dma_start3A_453 = arith.constant 0 : i32
    %dma_start3A_454 = tpu.memref_slice %arg7[%dma_start3A_451, %dma_start3A_452, %dma_start3A_453] : memref<6x16x1024xf32, #tpu.memory_space<vmem>> -> memref<1x16x1024xf32, #tpu.memory_space<vmem>>
    %dma_start3A_455 = tpu.memref_squeeze %dma_start3A_454 : memref<1x16x1024xf32, #tpu.memory_space<vmem>> -> memref<16x1024xf32, #tpu.memory_space<vmem>>
    %dma_start3A_456 = arith.constant 0 : i32
    %dma_start3A_457 = tpu.memref_slice %arg5[%select_n3A, %add3A_450, %dma_start3A_456] : memref<4x2080x1024xf32, #tpu.memory_space<hbm>> -> memref<1x16x1024xf32, #tpu.memory_space<hbm>>
    %dma_start3A_458 = tpu.memref_squeeze %dma_start3A_457 : memref<1x16x1024xf32, #tpu.memory_space<hbm>> -> memref<16x1024xf32, #tpu.memory_space<hbm>>
    %dma_start3A_459 = arith.constant 0 : i32
    %dma_start3A_460 = tpu.memref_slice %arg5[%select_n3A, %add3A_450, %dma_start3A_459] : memref<4x2080x1024xf32, #tpu.memory_space<hbm>> -> memref<1x16x1024xf32, #tpu.memory_space<hbm>>
    %dma_start3A_461 = tpu.memref_squeeze %dma_start3A_460 : memref<1x16x1024xf32, #tpu.memory_space<hbm>> -> memref<16x1024xf32, #tpu.memory_space<hbm>>
    %dma_start3A_462 = arith.constant 0 : i32
    %dma_start3A_463 = arith.constant 0 : i32
    %dma_start3A_464 = tpu.memref_slice %arg7[%dma_start3A_451, %dma_start3A_462, %dma_start3A_463] : memref<6x16x1024xf32, #tpu.memory_space<vmem>> -> memref<1x16x1024xf32, #tpu.memory_space<vmem>>
    %dma_start3A_465 = tpu.memref_squeeze %dma_start3A_464 : memref<1x16x1024xf32, #tpu.memory_space<vmem>> -> memref<16x1024xf32, #tpu.memory_space<vmem>>
    tpu.enqueue_dma source(%dma_start3A_465 : memref<16x1024xf32, #tpu.memory_space<vmem>>) target(%dma_start3A_461 : memref<16x1024xf32, #tpu.memory_space<hbm>>) target_semaphore(%arg15 : memref<!tpu.dma_semaphore, #tpu.memory_space<semaphore_mem>>)
    %dma_wait3A_466 = arith.constant 5 : i32
    %dma_wait3A_467 = arith.constant 0 : i32
    %dma_wait3A_468 = arith.constant 0 : i32
    %dma_wait3A_469 = tpu.memref_slice %arg7[%dma_wait3A_466, %dma_wait3A_467, %dma_wait3A_468] : memref<6x16x1024xf32, #tpu.memory_space<vmem>> -> memref<1x16x1024xf32, #tpu.memory_space<vmem>>
    %dma_wait3A_470 = tpu.memref_squeeze %dma_wait3A_469 : memref<1x16x1024xf32, #tpu.memory_space<vmem>> -> memref<16x1024xf32, #tpu.memory_space<vmem>>
    %dma_wait3A_471 = arith.constant 0 : i32
    %dma_wait3A_472 = tpu.memref_slice %arg5[%select_n3A, %add3A_396, %dma_wait3A_471] : memref<4x2080x1024xf32, #tpu.memory_space<hbm>> -> memref<1x16x1024xf32, #tpu.memory_space<hbm>>
    %dma_wait3A_473 = tpu.memref_squeeze %dma_wait3A_472 : memref<1x16x1024xf32, #tpu.memory_space<hbm>> -> memref<16x1024xf32, #tpu.memory_space<hbm>>
    %dma_wait3A_474 = arith.constant 0 : i32
    %dma_wait3A_475 = tpu.memref_slice %arg5[%select_n3A, %add3A_396, %dma_wait3A_474] : memref<4x2080x1024xf32, #tpu.memory_space<hbm>> -> memref<1x16x1024xf32, #tpu.memory_space<hbm>>
    %dma_wait3A_476 = tpu.memref_squeeze %dma_wait3A_475 : memref<1x16x1024xf32, #tpu.memory_space<hbm>> -> memref<16x1024xf32, #tpu.memory_space<hbm>>
    %dma_wait3A_477 = arith.constant 0 : i32
    %dma_wait3A_478 = arith.constant 0 : i32
    %dma_wait3A_479 = tpu.memref_slice %arg7[%dma_wait3A_466, %dma_wait3A_477, %dma_wait3A_478] : memref<6x16x1024xf32, #tpu.memory_space<vmem>> -> memref<1x16x1024xf32, #tpu.memory_space<vmem>>
    %dma_wait3A_480 = tpu.memref_squeeze %dma_wait3A_479 : memref<1x16x1024xf32, #tpu.memory_space<vmem>> -> memref<16x1024xf32, #tpu.memory_space<vmem>>
    tpu.wait_dma2 semaphore(%arg20 : memref<!tpu.dma_semaphore, #tpu.memory_space<semaphore_mem>>) src(%dma_wait3A_480 : memref<16x1024xf32, #tpu.memory_space<vmem>>) dst(%dma_wait3A_476 : memref<16x1024xf32, #tpu.memory_space<hbm>>)
    %dma_start3A_481 = arith.constant 5 : i32
    %dma_start3A_482 = arith.constant 0 : i32
    %dma_start3A_483 = arith.constant 0 : i32
    %dma_start3A_484 = tpu.memref_slice %arg7[%dma_start3A_481, %dma_start3A_482, %dma_start3A_483] : memref<6x16x1024xf32, #tpu.memory_space<vmem>> -> memref<1x16x1024xf32, #tpu.memory_space<vmem>>
    %dma_start3A_485 = tpu.memref_squeeze %dma_start3A_484 : memref<1x16x1024xf32, #tpu.memory_space<vmem>> -> memref<16x1024xf32, #tpu.memory_space<vmem>>
    %dma_start3A_486 = arith.constant 176 : i32
    %dma_start3A_487 = tpu.memref_slice %arg6[%dma_start3A_486] : memref<256xi32, #tpu.memory_space<vmem>> -> memref<16xi32, #tpu.memory_space<vmem>>
    %dma_start3A_488 = arith.constant 0 : i32
    %dma_start3A_489 = arith.constant 0 : i32
    %dma_start3A_490 = tpu.memref_slice %arg3[%dma_start3A_488, %dma_start3A_489] : memref<100000x1024xf32, #tpu.memory_space<hbm>> -> memref<100000x1024xf32, #tpu.memory_space<hbm>>
    tpu.enqueue_indirect_dma source(%dma_start3A_490 : memref<100000x1024xf32, #tpu.memory_space<hbm>>) target(%dma_start3A_485 : memref<16x1024xf32, #tpu.memory_space<vmem>>) offsets(%dma_start3A_487 : memref<16xi32, #tpu.memory_space<vmem>>) semaphore(%arg14 : memref<!tpu.dma_semaphore, #tpu.memory_space<semaphore_mem>>)
    %dma_wait3A_491 = arith.constant 1 : i32
    %dma_wait3A_492 = arith.constant 0 : i32
    %dma_wait3A_493 = arith.constant 0 : i32
    %dma_wait3A_494 = tpu.memref_slice %arg7[%dma_wait3A_491, %dma_wait3A_492, %dma_wait3A_493] : memref<6x16x1024xf32, #tpu.memory_space<vmem>> -> memref<1x16x1024xf32, #tpu.memory_space<vmem>>
    %dma_wait3A_495 = tpu.memref_squeeze %dma_wait3A_494 : memref<1x16x1024xf32, #tpu.memory_space<vmem>> -> memref<16x1024xf32, #tpu.memory_space<vmem>>
    %dma_wait3A_496 = arith.constant 112 : i32
    %dma_wait3A_497 = tpu.memref_slice %arg6[%dma_wait3A_496] : memref<256xi32, #tpu.memory_space<vmem>> -> memref<16xi32, #tpu.memory_space<vmem>>
    %dma_wait3A_498 = arith.constant 0 : i32
    %dma_wait3A_499 = arith.constant 0 : i32
    %dma_wait3A_500 = tpu.memref_slice %arg3[%dma_wait3A_498, %dma_wait3A_499] : memref<100000x1024xf32, #tpu.memory_space<hbm>> -> memref<100000x1024xf32, #tpu.memory_space<hbm>>
    tpu.wait_indirect_dma semaphore(%arg10 : memref<!tpu.dma_semaphore, #tpu.memory_space<semaphore_mem>>) src(%dma_wait3A_500 : memref<100000x1024xf32, #tpu.memory_space<hbm>>) dst(%dma_wait3A_495 : memref<16x1024xf32, #tpu.memory_space<vmem>>)
    %add3A_501 = arith.constant 32 : i32
    %add3A_502 = arith.addi %add3A_501, %mul3A_32 : i32
    %add3A_503 = arith.constant 112 : i32
    %add3A_504 = arith.addi %add3A_502, %add3A_503 : i32
    %dma_start3A_505 = arith.constant 1 : i32
    %dma_start3A_506 = arith.constant 0 : i32
    %dma_start3A_507 = arith.constant 0 : i32
    %dma_start3A_508 = tpu.memref_slice %arg7[%dma_start3A_505, %dma_start3A_506, %dma_start3A_507] : memref<6x16x1024xf32, #tpu.memory_space<vmem>> -> memref<1x16x1024xf32, #tpu.memory_space<vmem>>
    %dma_start3A_509 = tpu.memref_squeeze %dma_start3A_508 : memref<1x16x1024xf32, #tpu.memory_space<vmem>> -> memref<16x1024xf32, #tpu.memory_space<vmem>>
    %dma_start3A_510 = arith.constant 0 : i32
    %dma_start3A_511 = tpu.memref_slice %arg5[%select_n3A, %add3A_504, %dma_start3A_510] : memref<4x2080x1024xf32, #tpu.memory_space<hbm>> -> memref<1x16x1024xf32, #tpu.memory_space<hbm>>
    %dma_start3A_512 = tpu.memref_squeeze %dma_start3A_511 : memref<1x16x1024xf32, #tpu.memory_space<hbm>> -> memref<16x1024xf32, #tpu.memory_space<hbm>>
    %dma_start3A_513 = arith.constant 0 : i32
    %dma_start3A_514 = tpu.memref_slice %arg5[%select_n3A, %add3A_504, %dma_start3A_513] : memref<4x2080x1024xf32, #tpu.memory_space<hbm>> -> memref<1x16x1024xf32, #tpu.memory_space<hbm>>
    %dma_start3A_515 = tpu.memref_squeeze %dma_start3A_514 : memref<1x16x1024xf32, #tpu.memory_space<hbm>> -> memref<16x1024xf32, #tpu.memory_space<hbm>>
    %dma_start3A_516 = arith.constant 0 : i32
    %dma_start3A_517 = arith.constant 0 : i32
    %dma_start3A_518 = tpu.memref_slice %arg7[%dma_start3A_505, %dma_start3A_516, %dma_start3A_517] : memref<6x16x1024xf32, #tpu.memory_space<vmem>> -> memref<1x16x1024xf32, #tpu.memory_space<vmem>>
    %dma_start3A_519 = tpu.memref_squeeze %dma_start3A_518 : memref<1x16x1024xf32, #tpu.memory_space<vmem>> -> memref<16x1024xf32, #tpu.memory_space<vmem>>
    tpu.enqueue_dma source(%dma_start3A_519 : memref<16x1024xf32, #tpu.memory_space<vmem>>) target(%dma_start3A_515 : memref<16x1024xf32, #tpu.memory_space<hbm>>) target_semaphore(%arg16 : memref<!tpu.dma_semaphore, #tpu.memory_space<semaphore_mem>>)
    %dma_wait3A_520 = arith.constant 0 : i32
    %dma_wait3A_521 = arith.constant 0 : i32
    %dma_wait3A_522 = arith.constant 0 : i32
    %dma_wait3A_523 = tpu.memref_slice %arg7[%dma_wait3A_520, %dma_wait3A_521, %dma_wait3A_522] : memref<6x16x1024xf32, #tpu.memory_space<vmem>> -> memref<1x16x1024xf32, #tpu.memory_space<vmem>>
    %dma_wait3A_524 = tpu.memref_squeeze %dma_wait3A_523 : memref<1x16x1024xf32, #tpu.memory_space<vmem>> -> memref<16x1024xf32, #tpu.memory_space<vmem>>
    %dma_wait3A_525 = arith.constant 0 : i32
    %dma_wait3A_526 = tpu.memref_slice %arg5[%select_n3A, %add3A_450, %dma_wait3A_525] : memref<4x2080x1024xf32, #tpu.memory_space<hbm>> -> memref<1x16x1024xf32, #tpu.memory_space<hbm>>
    %dma_wait3A_527 = tpu.memref_squeeze %dma_wait3A_526 : memref<1x16x1024xf32, #tpu.memory_space<hbm>> -> memref<16x1024xf32, #tpu.memory_space<hbm>>
    %dma_wait3A_528 = arith.constant 0 : i32
    %dma_wait3A_529 = tpu.memref_slice %arg5[%select_n3A, %add3A_450, %dma_wait3A_528] : memref<4x2080x1024xf32, #tpu.memory_space<hbm>> -> memref<1x16x1024xf32, #tpu.memory_space<hbm>>
    %dma_wait3A_530 = tpu.memref_squeeze %dma_wait3A_529 : memref<1x16x1024xf32, #tpu.memory_space<hbm>> -> memref<16x1024xf32, #tpu.memory_space<hbm>>
    %dma_wait3A_531 = arith.constant 0 : i32
    %dma_wait3A_532 = arith.constant 0 : i32
    %dma_wait3A_533 = tpu.memref_slice %arg7[%dma_wait3A_520, %dma_wait3A_531, %dma_wait3A_532] : memref<6x16x1024xf32, #tpu.memory_space<vmem>> -> memref<1x16x1024xf32, #tpu.memory_space<vmem>>
    %dma_wait3A_534 = tpu.memref_squeeze %dma_wait3A_533 : memref<1x16x1024xf32, #tpu.memory_space<vmem>> -> memref<16x1024xf32, #tpu.memory_space<vmem>>
    tpu.wait_dma2 semaphore(%arg15 : memref<!tpu.dma_semaphore, #tpu.memory_space<semaphore_mem>>) src(%dma_wait3A_534 : memref<16x1024xf32, #tpu.memory_space<vmem>>) dst(%dma_wait3A_530 : memref<16x1024xf32, #tpu.memory_space<hbm>>)
    %dma_start3A_535 = arith.constant 0 : i32
    %dma_start3A_536 = arith.constant 0 : i32
    %dma_start3A_537 = arith.constant 0 : i32
    %dma_start3A_538 = tpu.memref_slice %arg7[%dma_start3A_535, %dma_start3A_536, %dma_start3A_537] : memref<6x16x1024xf32, #tpu.memory_space<vmem>> -> memref<1x16x1024xf32, #tpu.memory_space<vmem>>
    %dma_start3A_539 = tpu.memref_squeeze %dma_start3A_538 : memref<1x16x1024xf32, #tpu.memory_space<vmem>> -> memref<16x1024xf32, #tpu.memory_space<vmem>>
    %dma_start3A_540 = arith.constant 192 : i32
    %dma_start3A_541 = tpu.memref_slice %arg6[%dma_start3A_540] : memref<256xi32, #tpu.memory_space<vmem>> -> memref<16xi32, #tpu.memory_space<vmem>>
    %dma_start3A_542 = arith.constant 0 : i32
    %dma_start3A_543 = arith.constant 0 : i32
    %dma_start3A_544 = tpu.memref_slice %arg3[%dma_start3A_542, %dma_start3A_543] : memref<100000x1024xf32, #tpu.memory_space<hbm>> -> memref<100000x1024xf32, #tpu.memory_space<hbm>>
    tpu.enqueue_indirect_dma source(%dma_start3A_544 : memref<100000x1024xf32, #tpu.memory_space<hbm>>) target(%dma_start3A_539 : memref<16x1024xf32, #tpu.memory_space<vmem>>) offsets(%dma_start3A_541 : memref<16xi32, #tpu.memory_space<vmem>>) semaphore(%arg9 : memref<!tpu.dma_semaphore, #tpu.memory_space<semaphore_mem>>)
    %dma_wait3A_545 = arith.constant 2 : i32
    %dma_wait3A_546 = arith.constant 0 : i32
    %dma_wait3A_547 = arith.constant 0 : i32
    %dma_wait3A_548 = tpu.memref_slice %arg7[%dma_wait3A_545, %dma_wait3A_546, %dma_wait3A_547] : memref<6x16x1024xf32, #tpu.memory_space<vmem>> -> memref<1x16x1024xf32, #tpu.memory_space<vmem>>
    %dma_wait3A_549 = tpu.memref_squeeze %dma_wait3A_548 : memref<1x16x1024xf32, #tpu.memory_space<vmem>> -> memref<16x1024xf32, #tpu.memory_space<vmem>>
    %dma_wait3A_550 = arith.constant 128 : i32
    %dma_wait3A_551 = tpu.memref_slice %arg6[%dma_wait3A_550] : memref<256xi32, #tpu.memory_space<vmem>> -> memref<16xi32, #tpu.memory_space<vmem>>
    %dma_wait3A_552 = arith.constant 0 : i32
    %dma_wait3A_553 = arith.constant 0 : i32
    %dma_wait3A_554 = tpu.memref_slice %arg3[%dma_wait3A_552, %dma_wait3A_553] : memref<100000x1024xf32, #tpu.memory_space<hbm>> -> memref<100000x1024xf32, #tpu.memory_space<hbm>>
    tpu.wait_indirect_dma semaphore(%arg11 : memref<!tpu.dma_semaphore, #tpu.memory_space<semaphore_mem>>) src(%dma_wait3A_554 : memref<100000x1024xf32, #tpu.memory_space<hbm>>) dst(%dma_wait3A_549 : memref<16x1024xf32, #tpu.memory_space<vmem>>)
    %add3A_555 = arith.constant 32 : i32
    %add3A_556 = arith.addi %add3A_555, %mul3A_32 : i32
    %add3A_557 = arith.constant 128 : i32
    %add3A_558 = arith.addi %add3A_556, %add3A_557 : i32
    %dma_start3A_559 = arith.constant 2 : i32
    %dma_start3A_560 = arith.constant 0 : i32
    %dma_start3A_561 = arith.constant 0 : i32
    %dma_start3A_562 = tpu.memref_slice %arg7[%dma_start3A_559, %dma_start3A_560, %dma_start3A_561] : memref<6x16x1024xf32, #tpu.memory_space<vmem>> -> memref<1x16x1024xf32, #tpu.memory_space<vmem>>
    %dma_start3A_563 = tpu.memref_squeeze %dma_start3A_562 : memref<1x16x1024xf32, #tpu.memory_space<vmem>> -> memref<16x1024xf32, #tpu.memory_space<vmem>>
    %dma_start3A_564 = arith.constant 0 : i32
    %dma_start3A_565 = tpu.memref_slice %arg5[%select_n3A, %add3A_558, %dma_start3A_564] : memref<4x2080x1024xf32, #tpu.memory_space<hbm>> -> memref<1x16x1024xf32, #tpu.memory_space<hbm>>
    %dma_start3A_566 = tpu.memref_squeeze %dma_start3A_565 : memref<1x16x1024xf32, #tpu.memory_space<hbm>> -> memref<16x1024xf32, #tpu.memory_space<hbm>>
    %dma_start3A_567 = arith.constant 0 : i32
    %dma_start3A_568 = tpu.memref_slice %arg5[%select_n3A, %add3A_558, %dma_start3A_567] : memref<4x2080x1024xf32, #tpu.memory_space<hbm>> -> memref<1x16x1024xf32, #tpu.memory_space<hbm>>
    %dma_start3A_569 = tpu.memref_squeeze %dma_start3A_568 : memref<1x16x1024xf32, #tpu.memory_space<hbm>> -> memref<16x1024xf32, #tpu.memory_space<hbm>>
    %dma_start3A_570 = arith.constant 0 : i32
    %dma_start3A_571 = arith.constant 0 : i32
    %dma_start3A_572 = tpu.memref_slice %arg7[%dma_start3A_559, %dma_start3A_570, %dma_start3A_571] : memref<6x16x1024xf32, #tpu.memory_space<vmem>> -> memref<1x16x1024xf32, #tpu.memory_space<vmem>>
    %dma_start3A_573 = tpu.memref_squeeze %dma_start3A_572 : memref<1x16x1024xf32, #tpu.memory_space<vmem>> -> memref<16x1024xf32, #tpu.memory_space<vmem>>
    tpu.enqueue_dma source(%dma_start3A_573 : memref<16x1024xf32, #tpu.memory_space<vmem>>) target(%dma_start3A_569 : memref<16x1024xf32, #tpu.memory_space<hbm>>) target_semaphore(%arg17 : memref<!tpu.dma_semaphore, #tpu.memory_space<semaphore_mem>>)
    %dma_wait3A_574 = arith.constant 1 : i32
    %dma_wait3A_575 = arith.constant 0 : i32
    %dma_wait3A_576 = arith.constant 0 : i32
    %dma_wait3A_577 = tpu.memref_slice %arg7[%dma_wait3A_574, %dma_wait3A_575, %dma_wait3A_576] : memref<6x16x1024xf32, #tpu.memory_space<vmem>> -> memref<1x16x1024xf32, #tpu.memory_space<vmem>>
    %dma_wait3A_578 = tpu.memref_squeeze %dma_wait3A_577 : memref<1x16x1024xf32, #tpu.memory_space<vmem>> -> memref<16x1024xf32, #tpu.memory_space<vmem>>
    %dma_wait3A_579 = arith.constant 0 : i32
    %dma_wait3A_580 = tpu.memref_slice %arg5[%select_n3A, %add3A_504, %dma_wait3A_579] : memref<4x2080x1024xf32, #tpu.memory_space<hbm>> -> memref<1x16x1024xf32, #tpu.memory_space<hbm>>
    %dma_wait3A_581 = tpu.memref_squeeze %dma_wait3A_580 : memref<1x16x1024xf32, #tpu.memory_space<hbm>> -> memref<16x1024xf32, #tpu.memory_space<hbm>>
    %dma_wait3A_582 = arith.constant 0 : i32
    %dma_wait3A_583 = tpu.memref_slice %arg5[%select_n3A, %add3A_504, %dma_wait3A_582] : memref<4x2080x1024xf32, #tpu.memory_space<hbm>> -> memref<1x16x1024xf32, #tpu.memory_space<hbm>>
    %dma_wait3A_584 = tpu.memref_squeeze %dma_wait3A_583 : memref<1x16x1024xf32, #tpu.memory_space<hbm>> -> memref<16x1024xf32, #tpu.memory_space<hbm>>
    %dma_wait3A_585 = arith.constant 0 : i32
    %dma_wait3A_586 = arith.constant 0 : i32
    %dma_wait3A_587 = tpu.memref_slice %arg7[%dma_wait3A_574, %dma_wait3A_585, %dma_wait3A_586] : memref<6x16x1024xf32, #tpu.memory_space<vmem>> -> memref<1x16x1024xf32, #tpu.memory_space<vmem>>
    %dma_wait3A_588 = tpu.memref_squeeze %dma_wait3A_587 : memref<1x16x1024xf32, #tpu.memory_space<vmem>> -> memref<16x1024xf32, #tpu.memory_space<vmem>>
    tpu.wait_dma2 semaphore(%arg16 : memref<!tpu.dma_semaphore, #tpu.memory_space<semaphore_mem>>) src(%dma_wait3A_588 : memref<16x1024xf32, #tpu.memory_space<vmem>>) dst(%dma_wait3A_584 : memref<16x1024xf32, #tpu.memory_space<hbm>>)
    %dma_start3A_589 = arith.constant 1 : i32
    %dma_start3A_590 = arith.constant 0 : i32
    %dma_start3A_591 = arith.constant 0 : i32
    %dma_start3A_592 = tpu.memref_slice %arg7[%dma_start3A_589, %dma_start3A_590, %dma_start3A_591] : memref<6x16x1024xf32, #tpu.memory_space<vmem>> -> memref<1x16x1024xf32, #tpu.memory_space<vmem>>
    %dma_start3A_593 = tpu.memref_squeeze %dma_start3A_592 : memref<1x16x1024xf32, #tpu.memory_space<vmem>> -> memref<16x1024xf32, #tpu.memory_space<vmem>>
    %dma_start3A_594 = arith.constant 208 : i32
    %dma_start3A_595 = tpu.memref_slice %arg6[%dma_start3A_594] : memref<256xi32, #tpu.memory_space<vmem>> -> memref<16xi32, #tpu.memory_space<vmem>>
    %dma_start3A_596 = arith.constant 0 : i32
    %dma_start3A_597 = arith.constant 0 : i32
    %dma_start3A_598 = tpu.memref_slice %arg3[%dma_start3A_596, %dma_start3A_597] : memref<100000x1024xf32, #tpu.memory_space<hbm>> -> memref<100000x1024xf32, #tpu.memory_space<hbm>>
    tpu.enqueue_indirect_dma source(%dma_start3A_598 : memref<100000x1024xf32, #tpu.memory_space<hbm>>) target(%dma_start3A_593 : memref<16x1024xf32, #tpu.memory_space<vmem>>) offsets(%dma_start3A_595 : memref<16xi32, #tpu.memory_space<vmem>>) semaphore(%arg10 : memref<!tpu.dma_semaphore, #tpu.memory_space<semaphore_mem>>)
    %dma_wait3A_599 = arith.constant 3 : i32
    %dma_wait3A_600 = arith.constant 0 : i32
    %dma_wait3A_601 = arith.constant 0 : i32
    %dma_wait3A_602 = tpu.memref_slice %arg7[%dma_wait3A_599, %dma_wait3A_600, %dma_wait3A_601] : memref<6x16x1024xf32, #tpu.memory_space<vmem>> -> memref<1x16x1024xf32, #tpu.memory_space<vmem>>
    %dma_wait3A_603 = tpu.memref_squeeze %dma_wait3A_602 : memref<1x16x1024xf32, #tpu.memory_space<vmem>> -> memref<16x1024xf32, #tpu.memory_space<vmem>>
    %dma_wait3A_604 = arith.constant 144 : i32
    %dma_wait3A_605 = tpu.memref_slice %arg6[%dma_wait3A_604] : memref<256xi32, #tpu.memory_space<vmem>> -> memref<16xi32, #tpu.memory_space<vmem>>
    %dma_wait3A_606 = arith.constant 0 : i32
    %dma_wait3A_607 = arith.constant 0 : i32
    %dma_wait3A_608 = tpu.memref_slice %arg3[%dma_wait3A_606, %dma_wait3A_607] : memref<100000x1024xf32, #tpu.memory_space<hbm>> -> memref<100000x1024xf32, #tpu.memory_space<hbm>>
    tpu.wait_indirect_dma semaphore(%arg12 : memref<!tpu.dma_semaphore, #tpu.memory_space<semaphore_mem>>) src(%dma_wait3A_608 : memref<100000x1024xf32, #tpu.memory_space<hbm>>) dst(%dma_wait3A_603 : memref<16x1024xf32, #tpu.memory_space<vmem>>)
    %add3A_609 = arith.constant 32 : i32
    %add3A_610 = arith.addi %add3A_609, %mul3A_32 : i32
    %add3A_611 = arith.constant 144 : i32
    %add3A_612 = arith.addi %add3A_610, %add3A_611 : i32
    %dma_start3A_613 = arith.constant 3 : i32
    %dma_start3A_614 = arith.constant 0 : i32
    %dma_start3A_615 = arith.constant 0 : i32
    %dma_start3A_616 = tpu.memref_slice %arg7[%dma_start3A_613, %dma_start3A_614, %dma_start3A_615] : memref<6x16x1024xf32, #tpu.memory_space<vmem>> -> memref<1x16x1024xf32, #tpu.memory_space<vmem>>
    %dma_start3A_617 = tpu.memref_squeeze %dma_start3A_616 : memref<1x16x1024xf32, #tpu.memory_space<vmem>> -> memref<16x1024xf32, #tpu.memory_space<vmem>>
    %dma_start3A_618 = arith.constant 0 : i32
    %dma_start3A_619 = tpu.memref_slice %arg5[%select_n3A, %add3A_612, %dma_start3A_618] : memref<4x2080x1024xf32, #tpu.memory_space<hbm>> -> memref<1x16x1024xf32, #tpu.memory_space<hbm>>
    %dma_start3A_620 = tpu.memref_squeeze %dma_start3A_619 : memref<1x16x1024xf32, #tpu.memory_space<hbm>> -> memref<16x1024xf32, #tpu.memory_space<hbm>>
    %dma_start3A_621 = arith.constant 0 : i32
    %dma_start3A_622 = tpu.memref_slice %arg5[%select_n3A, %add3A_612, %dma_start3A_621] : memref<4x2080x1024xf32, #tpu.memory_space<hbm>> -> memref<1x16x1024xf32, #tpu.memory_space<hbm>>
    %dma_start3A_623 = tpu.memref_squeeze %dma_start3A_622 : memref<1x16x1024xf32, #tpu.memory_space<hbm>> -> memref<16x1024xf32, #tpu.memory_space<hbm>>
    %dma_start3A_624 = arith.constant 0 : i32
    %dma_start3A_625 = arith.constant 0 : i32
    %dma_start3A_626 = tpu.memref_slice %arg7[%dma_start3A_613, %dma_start3A_624, %dma_start3A_625] : memref<6x16x1024xf32, #tpu.memory_space<vmem>> -> memref<1x16x1024xf32, #tpu.memory_space<vmem>>
    %dma_start3A_627 = tpu.memref_squeeze %dma_start3A_626 : memref<1x16x1024xf32, #tpu.memory_space<vmem>> -> memref<16x1024xf32, #tpu.memory_space<vmem>>
    tpu.enqueue_dma source(%dma_start3A_627 : memref<16x1024xf32, #tpu.memory_space<vmem>>) target(%dma_start3A_623 : memref<16x1024xf32, #tpu.memory_space<hbm>>) target_semaphore(%arg18 : memref<!tpu.dma_semaphore, #tpu.memory_space<semaphore_mem>>)
    %dma_wait3A_628 = arith.constant 2 : i32
    %dma_wait3A_629 = arith.constant 0 : i32
    %dma_wait3A_630 = arith.constant 0 : i32
    %dma_wait3A_631 = tpu.memref_slice %arg7[%dma_wait3A_628, %dma_wait3A_629, %dma_wait3A_630] : memref<6x16x1024xf32, #tpu.memory_space<vmem>> -> memref<1x16x1024xf32, #tpu.memory_space<vmem>>
    %dma_wait3A_632 = tpu.memref_squeeze %dma_wait3A_631 : memref<1x16x1024xf32, #tpu.memory_space<vmem>> -> memref<16x1024xf32, #tpu.memory_space<vmem>>
    %dma_wait3A_633 = arith.constant 0 : i32
    %dma_wait3A_634 = tpu.memref_slice %arg5[%select_n3A, %add3A_558, %dma_wait3A_633] : memref<4x2080x1024xf32, #tpu.memory_space<hbm>> -> memref<1x16x1024xf32, #tpu.memory_space<hbm>>
    %dma_wait3A_635 = tpu.memref_squeeze %dma_wait3A_634 : memref<1x16x1024xf32, #tpu.memory_space<hbm>> -> memref<16x1024xf32, #tpu.memory_space<hbm>>
    %dma_wait3A_636 = arith.constant 0 : i32
    %dma_wait3A_637 = tpu.memref_slice %arg5[%select_n3A, %add3A_558, %dma_wait3A_636] : memref<4x2080x1024xf32, #tpu.memory_space<hbm>> -> memref<1x16x1024xf32, #tpu.memory_space<hbm>>
    %dma_wait3A_638 = tpu.memref_squeeze %dma_wait3A_637 : memref<1x16x1024xf32, #tpu.memory_space<hbm>> -> memref<16x1024xf32, #tpu.memory_space<hbm>>
    %dma_wait3A_639 = arith.constant 0 : i32
    %dma_wait3A_640 = arith.constant 0 : i32
    %dma_wait3A_641 = tpu.memref_slice %arg7[%dma_wait3A_628, %dma_wait3A_639, %dma_wait3A_640] : memref<6x16x1024xf32, #tpu.memory_space<vmem>> -> memref<1x16x1024xf32, #tpu.memory_space<vmem>>
    %dma_wait3A_642 = tpu.memref_squeeze %dma_wait3A_641 : memref<1x16x1024xf32, #tpu.memory_space<vmem>> -> memref<16x1024xf32, #tpu.memory_space<vmem>>
    tpu.wait_dma2 semaphore(%arg17 : memref<!tpu.dma_semaphore, #tpu.memory_space<semaphore_mem>>) src(%dma_wait3A_642 : memref<16x1024xf32, #tpu.memory_space<vmem>>) dst(%dma_wait3A_638 : memref<16x1024xf32, #tpu.memory_space<hbm>>)
    %dma_start3A_643 = arith.constant 2 : i32
    %dma_start3A_644 = arith.constant 0 : i32
    %dma_start3A_645 = arith.constant 0 : i32
    %dma_start3A_646 = tpu.memref_slice %arg7[%dma_start3A_643, %dma_start3A_644, %dma_start3A_645] : memref<6x16x1024xf32, #tpu.memory_space<vmem>> -> memref<1x16x1024xf32, #tpu.memory_space<vmem>>
    %dma_start3A_647 = tpu.memref_squeeze %dma_start3A_646 : memref<1x16x1024xf32, #tpu.memory_space<vmem>> -> memref<16x1024xf32, #tpu.memory_space<vmem>>
    %dma_start3A_648 = arith.constant 224 : i32
    %dma_start3A_649 = tpu.memref_slice %arg6[%dma_start3A_648] : memref<256xi32, #tpu.memory_space<vmem>> -> memref<16xi32, #tpu.memory_space<vmem>>
    %dma_start3A_650 = arith.constant 0 : i32
    %dma_start3A_651 = arith.constant 0 : i32
    %dma_start3A_652 = tpu.memref_slice %arg3[%dma_start3A_650, %dma_start3A_651] : memref<100000x1024xf32, #tpu.memory_space<hbm>> -> memref<100000x1024xf32, #tpu.memory_space<hbm>>
    tpu.enqueue_indirect_dma source(%dma_start3A_652 : memref<100000x1024xf32, #tpu.memory_space<hbm>>) target(%dma_start3A_647 : memref<16x1024xf32, #tpu.memory_space<vmem>>) offsets(%dma_start3A_649 : memref<16xi32, #tpu.memory_space<vmem>>) semaphore(%arg11 : memref<!tpu.dma_semaphore, #tpu.memory_space<semaphore_mem>>)
    %dma_wait3A_653 = arith.constant 4 : i32
    %dma_wait3A_654 = arith.constant 0 : i32
    %dma_wait3A_655 = arith.constant 0 : i32
    %dma_wait3A_656 = tpu.memref_slice %arg7[%dma_wait3A_653, %dma_wait3A_654, %dma_wait3A_655] : memref<6x16x1024xf32, #tpu.memory_space<vmem>> -> memref<1x16x1024xf32, #tpu.memory_space<vmem>>
    %dma_wait3A_657 = tpu.memref_squeeze %dma_wait3A_656 : memref<1x16x1024xf32, #tpu.memory_space<vmem>> -> memref<16x1024xf32, #tpu.memory_space<vmem>>
    %dma_wait3A_658 = arith.constant 160 : i32
    %dma_wait3A_659 = tpu.memref_slice %arg6[%dma_wait3A_658] : memref<256xi32, #tpu.memory_space<vmem>> -> memref<16xi32, #tpu.memory_space<vmem>>
    %dma_wait3A_660 = arith.constant 0 : i32
    %dma_wait3A_661 = arith.constant 0 : i32
    %dma_wait3A_662 = tpu.memref_slice %arg3[%dma_wait3A_660, %dma_wait3A_661] : memref<100000x1024xf32, #tpu.memory_space<hbm>> -> memref<100000x1024xf32, #tpu.memory_space<hbm>>
    tpu.wait_indirect_dma semaphore(%arg13 : memref<!tpu.dma_semaphore, #tpu.memory_space<semaphore_mem>>) src(%dma_wait3A_662 : memref<100000x1024xf32, #tpu.memory_space<hbm>>) dst(%dma_wait3A_657 : memref<16x1024xf32, #tpu.memory_space<vmem>>)
    %add3A_663 = arith.constant 32 : i32
    %add3A_664 = arith.addi %add3A_663, %mul3A_32 : i32
    %add3A_665 = arith.constant 160 : i32
    %add3A_666 = arith.addi %add3A_664, %add3A_665 : i32
    %dma_start3A_667 = arith.constant 4 : i32
    %dma_start3A_668 = arith.constant 0 : i32
    %dma_start3A_669 = arith.constant 0 : i32
    %dma_start3A_670 = tpu.memref_slice %arg7[%dma_start3A_667, %dma_start3A_668, %dma_start3A_669] : memref<6x16x1024xf32, #tpu.memory_space<vmem>> -> memref<1x16x1024xf32, #tpu.memory_space<vmem>>
    %dma_start3A_671 = tpu.memref_squeeze %dma_start3A_670 : memref<1x16x1024xf32, #tpu.memory_space<vmem>> -> memref<16x1024xf32, #tpu.memory_space<vmem>>
    %dma_start3A_672 = arith.constant 0 : i32
    %dma_start3A_673 = tpu.memref_slice %arg5[%select_n3A, %add3A_666, %dma_start3A_672] : memref<4x2080x1024xf32, #tpu.memory_space<hbm>> -> memref<1x16x1024xf32, #tpu.memory_space<hbm>>
    %dma_start3A_674 = tpu.memref_squeeze %dma_start3A_673 : memref<1x16x1024xf32, #tpu.memory_space<hbm>> -> memref<16x1024xf32, #tpu.memory_space<hbm>>
    %dma_start3A_675 = arith.constant 0 : i32
    %dma_start3A_676 = tpu.memref_slice %arg5[%select_n3A, %add3A_666, %dma_start3A_675] : memref<4x2080x1024xf32, #tpu.memory_space<hbm>> -> memref<1x16x1024xf32, #tpu.memory_space<hbm>>
    %dma_start3A_677 = tpu.memref_squeeze %dma_start3A_676 : memref<1x16x1024xf32, #tpu.memory_space<hbm>> -> memref<16x1024xf32, #tpu.memory_space<hbm>>
    %dma_start3A_678 = arith.constant 0 : i32
    %dma_start3A_679 = arith.constant 0 : i32
    %dma_start3A_680 = tpu.memref_slice %arg7[%dma_start3A_667, %dma_start3A_678, %dma_start3A_679] : memref<6x16x1024xf32, #tpu.memory_space<vmem>> -> memref<1x16x1024xf32, #tpu.memory_space<vmem>>
    %dma_start3A_681 = tpu.memref_squeeze %dma_start3A_680 : memref<1x16x1024xf32, #tpu.memory_space<vmem>> -> memref<16x1024xf32, #tpu.memory_space<vmem>>
    tpu.enqueue_dma source(%dma_start3A_681 : memref<16x1024xf32, #tpu.memory_space<vmem>>) target(%dma_start3A_677 : memref<16x1024xf32, #tpu.memory_space<hbm>>) target_semaphore(%arg19 : memref<!tpu.dma_semaphore, #tpu.memory_space<semaphore_mem>>)
    %dma_wait3A_682 = arith.constant 3 : i32
    %dma_wait3A_683 = arith.constant 0 : i32
    %dma_wait3A_684 = arith.constant 0 : i32
    %dma_wait3A_685 = tpu.memref_slice %arg7[%dma_wait3A_682, %dma_wait3A_683, %dma_wait3A_684] : memref<6x16x1024xf32, #tpu.memory_space<vmem>> -> memref<1x16x1024xf32, #tpu.memory_space<vmem>>
    %dma_wait3A_686 = tpu.memref_squeeze %dma_wait3A_685 : memref<1x16x1024xf32, #tpu.memory_space<vmem>> -> memref<16x1024xf32, #tpu.memory_space<vmem>>
    %dma_wait3A_687 = arith.constant 0 : i32
    %dma_wait3A_688 = tpu.memref_slice %arg5[%select_n3A, %add3A_612, %dma_wait3A_687] : memref<4x2080x1024xf32, #tpu.memory_space<hbm>> -> memref<1x16x1024xf32, #tpu.memory_space<hbm>>
    %dma_wait3A_689 = tpu.memref_squeeze %dma_wait3A_688 : memref<1x16x1024xf32, #tpu.memory_space<hbm>> -> memref<16x1024xf32, #tpu.memory_space<hbm>>
    %dma_wait3A_690 = arith.constant 0 : i32
    %dma_wait3A_691 = tpu.memref_slice %arg5[%select_n3A, %add3A_612, %dma_wait3A_690] : memref<4x2080x1024xf32, #tpu.memory_space<hbm>> -> memref<1x16x1024xf32, #tpu.memory_space<hbm>>
    %dma_wait3A_692 = tpu.memref_squeeze %dma_wait3A_691 : memref<1x16x1024xf32, #tpu.memory_space<hbm>> -> memref<16x1024xf32, #tpu.memory_space<hbm>>
    %dma_wait3A_693 = arith.constant 0 : i32
    %dma_wait3A_694 = arith.constant 0 : i32
    %dma_wait3A_695 = tpu.memref_slice %arg7[%dma_wait3A_682, %dma_wait3A_693, %dma_wait3A_694] : memref<6x16x1024xf32, #tpu.memory_space<vmem>> -> memref<1x16x1024xf32, #tpu.memory_space<vmem>>
    %dma_wait3A_696 = tpu.memref_squeeze %dma_wait3A_695 : memref<1x16x1024xf32, #tpu.memory_space<vmem>> -> memref<16x1024xf32, #tpu.memory_space<vmem>>
    tpu.wait_dma2 semaphore(%arg18 : memref<!tpu.dma_semaphore, #tpu.memory_space<semaphore_mem>>) src(%dma_wait3A_696 : memref<16x1024xf32, #tpu.memory_space<vmem>>) dst(%dma_wait3A_692 : memref<16x1024xf32, #tpu.memory_space<hbm>>)
    %dma_start3A_697 = arith.constant 3 : i32
    %dma_start3A_698 = arith.constant 0 : i32
    %dma_start3A_699 = arith.constant 0 : i32
    %dma_start3A_700 = tpu.memref_slice %arg7[%dma_start3A_697, %dma_start3A_698, %dma_start3A_699] : memref<6x16x1024xf32, #tpu.memory_space<vmem>> -> memref<1x16x1024xf32, #tpu.memory_space<vmem>>
    %dma_start3A_701 = tpu.memref_squeeze %dma_start3A_700 : memref<1x16x1024xf32, #tpu.memory_space<vmem>> -> memref<16x1024xf32, #tpu.memory_space<vmem>>
    %dma_start3A_702 = arith.constant 240 : i32
    %dma_start3A_703 = tpu.memref_slice %arg6[%dma_start3A_702] : memref<256xi32, #tpu.memory_space<vmem>> -> memref<16xi32, #tpu.memory_space<vmem>>
    %dma_start3A_704 = arith.constant 0 : i32
    %dma_start3A_705 = arith.constant 0 : i32
    %dma_start3A_706 = tpu.memref_slice %arg3[%dma_start3A_704, %dma_start3A_705] : memref<100000x1024xf32, #tpu.memory_space<hbm>> -> memref<100000x1024xf32, #tpu.memory_space<hbm>>
    tpu.enqueue_indirect_dma source(%dma_start3A_706 : memref<100000x1024xf32, #tpu.memory_space<hbm>>) target(%dma_start3A_701 : memref<16x1024xf32, #tpu.memory_space<vmem>>) offsets(%dma_start3A_703 : memref<16xi32, #tpu.memory_space<vmem>>) semaphore(%arg12 : memref<!tpu.dma_semaphore, #tpu.memory_space<semaphore_mem>>)
    %dma_wait3A_707 = arith.constant 5 : i32
    %dma_wait3A_708 = arith.constant 0 : i32
    %dma_wait3A_709 = arith.constant 0 : i32
    %dma_wait3A_710 = tpu.memref_slice %arg7[%dma_wait3A_707, %dma_wait3A_708, %dma_wait3A_709] : memref<6x16x1024xf32, #tpu.memory_space<vmem>> -> memref<1x16x1024xf32, #tpu.memory_space<vmem>>
    %dma_wait3A_711 = tpu.memref_squeeze %dma_wait3A_710 : memref<1x16x1024xf32, #tpu.memory_space<vmem>> -> memref<16x1024xf32, #tpu.memory_space<vmem>>
    %dma_wait3A_712 = arith.constant 176 : i32
    %dma_wait3A_713 = tpu.memref_slice %arg6[%dma_wait3A_712] : memref<256xi32, #tpu.memory_space<vmem>> -> memref<16xi32, #tpu.memory_space<vmem>>
    %dma_wait3A_714 = arith.constant 0 : i32
    %dma_wait3A_715 = arith.constant 0 : i32
    %dma_wait3A_716 = tpu.memref_slice %arg3[%dma_wait3A_714, %dma_wait3A_715] : memref<100000x1024xf32, #tpu.memory_space<hbm>> -> memref<100000x1024xf32, #tpu.memory_space<hbm>>
    tpu.wait_indirect_dma semaphore(%arg14 : memref<!tpu.dma_semaphore, #tpu.memory_space<semaphore_mem>>) src(%dma_wait3A_716 : memref<100000x1024xf32, #tpu.memory_space<hbm>>) dst(%dma_wait3A_711 : memref<16x1024xf32, #tpu.memory_space<vmem>>)
    %add3A_717 = arith.constant 32 : i32
    %add3A_718 = arith.addi %add3A_717, %mul3A_32 : i32
    %add3A_719 = arith.constant 176 : i32
    %add3A_720 = arith.addi %add3A_718, %add3A_719 : i32
    %dma_start3A_721 = arith.constant 5 : i32
    %dma_start3A_722 = arith.constant 0 : i32
    %dma_start3A_723 = arith.constant 0 : i32
    %dma_start3A_724 = tpu.memref_slice %arg7[%dma_start3A_721, %dma_start3A_722, %dma_start3A_723] : memref<6x16x1024xf32, #tpu.memory_space<vmem>> -> memref<1x16x1024xf32, #tpu.memory_space<vmem>>
    %dma_start3A_725 = tpu.memref_squeeze %dma_start3A_724 : memref<1x16x1024xf32, #tpu.memory_space<vmem>> -> memref<16x1024xf32, #tpu.memory_space<vmem>>
    %dma_start3A_726 = arith.constant 0 : i32
    %dma_start3A_727 = tpu.memref_slice %arg5[%select_n3A, %add3A_720, %dma_start3A_726] : memref<4x2080x1024xf32, #tpu.memory_space<hbm>> -> memref<1x16x1024xf32, #tpu.memory_space<hbm>>
    %dma_start3A_728 = tpu.memref_squeeze %dma_start3A_727 : memref<1x16x1024xf32, #tpu.memory_space<hbm>> -> memref<16x1024xf32, #tpu.memory_space<hbm>>
    %dma_start3A_729 = arith.constant 0 : i32
    %dma_start3A_730 = tpu.memref_slice %arg5[%select_n3A, %add3A_720, %dma_start3A_729] : memref<4x2080x1024xf32, #tpu.memory_space<hbm>> -> memref<1x16x1024xf32, #tpu.memory_space<hbm>>
    %dma_start3A_731 = tpu.memref_squeeze %dma_start3A_730 : memref<1x16x1024xf32, #tpu.memory_space<hbm>> -> memref<16x1024xf32, #tpu.memory_space<hbm>>
    %dma_start3A_732 = arith.constant 0 : i32
    %dma_start3A_733 = arith.constant 0 : i32
    %dma_start3A_734 = tpu.memref_slice %arg7[%dma_start3A_721, %dma_start3A_732, %dma_start3A_733] : memref<6x16x1024xf32, #tpu.memory_space<vmem>> -> memref<1x16x1024xf32, #tpu.memory_space<vmem>>
    %dma_start3A_735 = tpu.memref_squeeze %dma_start3A_734 : memref<1x16x1024xf32, #tpu.memory_space<vmem>> -> memref<16x1024xf32, #tpu.memory_space<vmem>>
    tpu.enqueue_dma source(%dma_start3A_735 : memref<16x1024xf32, #tpu.memory_space<vmem>>) target(%dma_start3A_731 : memref<16x1024xf32, #tpu.memory_space<hbm>>) target_semaphore(%arg20 : memref<!tpu.dma_semaphore, #tpu.memory_space<semaphore_mem>>)
    %dma_wait3A_736 = arith.constant 0 : i32
    %dma_wait3A_737 = arith.constant 0 : i32
    %dma_wait3A_738 = arith.constant 0 : i32
    %dma_wait3A_739 = tpu.memref_slice %arg7[%dma_wait3A_736, %dma_wait3A_737, %dma_wait3A_738] : memref<6x16x1024xf32, #tpu.memory_space<vmem>> -> memref<1x16x1024xf32, #tpu.memory_space<vmem>>
    %dma_wait3A_740 = tpu.memref_squeeze %dma_wait3A_739 : memref<1x16x1024xf32, #tpu.memory_space<vmem>> -> memref<16x1024xf32, #tpu.memory_space<vmem>>
    %dma_wait3A_741 = arith.constant 192 : i32
    %dma_wait3A_742 = tpu.memref_slice %arg6[%dma_wait3A_741] : memref<256xi32, #tpu.memory_space<vmem>> -> memref<16xi32, #tpu.memory_space<vmem>>
    %dma_wait3A_743 = arith.constant 0 : i32
    %dma_wait3A_744 = arith.constant 0 : i32
    %dma_wait3A_745 = tpu.memref_slice %arg3[%dma_wait3A_743, %dma_wait3A_744] : memref<100000x1024xf32, #tpu.memory_space<hbm>> -> memref<100000x1024xf32, #tpu.memory_space<hbm>>
    tpu.wait_indirect_dma semaphore(%arg9 : memref<!tpu.dma_semaphore, #tpu.memory_space<semaphore_mem>>) src(%dma_wait3A_745 : memref<100000x1024xf32, #tpu.memory_space<hbm>>) dst(%dma_wait3A_740 : memref<16x1024xf32, #tpu.memory_space<vmem>>)
    %add3A_746 = arith.constant 32 : i32
    %add3A_747 = arith.addi %add3A_746, %mul3A_32 : i32
    %add3A_748 = arith.constant 192 : i32
    %add3A_749 = arith.addi %add3A_747, %add3A_748 : i32
    %dma_start3A_750 = arith.constant 0 : i32
    %dma_start3A_751 = arith.constant 0 : i32
    %dma_start3A_752 = arith.constant 0 : i32
    %dma_start3A_753 = tpu.memref_slice %arg7[%dma_start3A_750, %dma_start3A_751, %dma_start3A_752] : memref<6x16x1024xf32, #tpu.memory_space<vmem>> -> memref<1x16x1024xf32, #tpu.memory_space<vmem>>
    %dma_start3A_754 = tpu.memref_squeeze %dma_start3A_753 : memref<1x16x1024xf32, #tpu.memory_space<vmem>> -> memref<16x1024xf32, #tpu.memory_space<vmem>>
    %dma_start3A_755 = arith.constant 0 : i32
    %dma_start3A_756 = tpu.memref_slice %arg5[%select_n3A, %add3A_749, %dma_start3A_755] : memref<4x2080x1024xf32, #tpu.memory_space<hbm>> -> memref<1x16x1024xf32, #tpu.memory_space<hbm>>
    %dma_start3A_757 = tpu.memref_squeeze %dma_start3A_756 : memref<1x16x1024xf32, #tpu.memory_space<hbm>> -> memref<16x1024xf32, #tpu.memory_space<hbm>>
    %dma_start3A_758 = arith.constant 0 : i32
    %dma_start3A_759 = tpu.memref_slice %arg5[%select_n3A, %add3A_749, %dma_start3A_758] : memref<4x2080x1024xf32, #tpu.memory_space<hbm>> -> memref<1x16x1024xf32, #tpu.memory_space<hbm>>
    %dma_start3A_760 = tpu.memref_squeeze %dma_start3A_759 : memref<1x16x1024xf32, #tpu.memory_space<hbm>> -> memref<16x1024xf32, #tpu.memory_space<hbm>>
    %dma_start3A_761 = arith.constant 0 : i32
    %dma_start3A_762 = arith.constant 0 : i32
    %dma_start3A_763 = tpu.memref_slice %arg7[%dma_start3A_750, %dma_start3A_761, %dma_start3A_762] : memref<6x16x1024xf32, #tpu.memory_space<vmem>> -> memref<1x16x1024xf32, #tpu.memory_space<vmem>>
    %dma_start3A_764 = tpu.memref_squeeze %dma_start3A_763 : memref<1x16x1024xf32, #tpu.memory_space<vmem>> -> memref<16x1024xf32, #tpu.memory_space<vmem>>
    tpu.enqueue_dma source(%dma_start3A_764 : memref<16x1024xf32, #tpu.memory_space<vmem>>) target(%dma_start3A_760 : memref<16x1024xf32, #tpu.memory_space<hbm>>) target_semaphore(%arg15 : memref<!tpu.dma_semaphore, #tpu.memory_space<semaphore_mem>>)
    %dma_wait3A_765 = arith.constant 1 : i32
    %dma_wait3A_766 = arith.constant 0 : i32
    %dma_wait3A_767 = arith.constant 0 : i32
    %dma_wait3A_768 = tpu.memref_slice %arg7[%dma_wait3A_765, %dma_wait3A_766, %dma_wait3A_767] : memref<6x16x1024xf32, #tpu.memory_space<vmem>> -> memref<1x16x1024xf32, #tpu.memory_space<vmem>>
    %dma_wait3A_769 = tpu.memref_squeeze %dma_wait3A_768 : memref<1x16x1024xf32, #tpu.memory_space<vmem>> -> memref<16x1024xf32, #tpu.memory_space<vmem>>
    %dma_wait3A_770 = arith.constant 208 : i32
    %dma_wait3A_771 = tpu.memref_slice %arg6[%dma_wait3A_770] : memref<256xi32, #tpu.memory_space<vmem>> -> memref<16xi32, #tpu.memory_space<vmem>>
    %dma_wait3A_772 = arith.constant 0 : i32
    %dma_wait3A_773 = arith.constant 0 : i32
    %dma_wait3A_774 = tpu.memref_slice %arg3[%dma_wait3A_772, %dma_wait3A_773] : memref<100000x1024xf32, #tpu.memory_space<hbm>> -> memref<100000x1024xf32, #tpu.memory_space<hbm>>
    tpu.wait_indirect_dma semaphore(%arg10 : memref<!tpu.dma_semaphore, #tpu.memory_space<semaphore_mem>>) src(%dma_wait3A_774 : memref<100000x1024xf32, #tpu.memory_space<hbm>>) dst(%dma_wait3A_769 : memref<16x1024xf32, #tpu.memory_space<vmem>>)
    %add3A_775 = arith.constant 32 : i32
    %add3A_776 = arith.addi %add3A_775, %mul3A_32 : i32
    %add3A_777 = arith.constant 208 : i32
    %add3A_778 = arith.addi %add3A_776, %add3A_777 : i32
    %dma_start3A_779 = arith.constant 1 : i32
    %dma_start3A_780 = arith.constant 0 : i32
    %dma_start3A_781 = arith.constant 0 : i32
    %dma_start3A_782 = tpu.memref_slice %arg7[%dma_start3A_779, %dma_start3A_780, %dma_start3A_781] : memref<6x16x1024xf32, #tpu.memory_space<vmem>> -> memref<1x16x1024xf32, #tpu.memory_space<vmem>>
    %dma_start3A_783 = tpu.memref_squeeze %dma_start3A_782 : memref<1x16x1024xf32, #tpu.memory_space<vmem>> -> memref<16x1024xf32, #tpu.memory_space<vmem>>
    %dma_start3A_784 = arith.constant 0 : i32
    %dma_start3A_785 = tpu.memref_slice %arg5[%select_n3A, %add3A_778, %dma_start3A_784] : memref<4x2080x1024xf32, #tpu.memory_space<hbm>> -> memref<1x16x1024xf32, #tpu.memory_space<hbm>>
    %dma_start3A_786 = tpu.memref_squeeze %dma_start3A_785 : memref<1x16x1024xf32, #tpu.memory_space<hbm>> -> memref<16x1024xf32, #tpu.memory_space<hbm>>
    %dma_start3A_787 = arith.constant 0 : i32
    %dma_start3A_788 = tpu.memref_slice %arg5[%select_n3A, %add3A_778, %dma_start3A_787] : memref<4x2080x1024xf32, #tpu.memory_space<hbm>> -> memref<1x16x1024xf32, #tpu.memory_space<hbm>>
    %dma_start3A_789 = tpu.memref_squeeze %dma_start3A_788 : memref<1x16x1024xf32, #tpu.memory_space<hbm>> -> memref<16x1024xf32, #tpu.memory_space<hbm>>
    %dma_start3A_790 = arith.constant 0 : i32
    %dma_start3A_791 = arith.constant 0 : i32
    %dma_start3A_792 = tpu.memref_slice %arg7[%dma_start3A_779, %dma_start3A_790, %dma_start3A_791] : memref<6x16x1024xf32, #tpu.memory_space<vmem>> -> memref<1x16x1024xf32, #tpu.memory_space<vmem>>
    %dma_start3A_793 = tpu.memref_squeeze %dma_start3A_792 : memref<1x16x1024xf32, #tpu.memory_space<vmem>> -> memref<16x1024xf32, #tpu.memory_space<vmem>>
    tpu.enqueue_dma source(%dma_start3A_793 : memref<16x1024xf32, #tpu.memory_space<vmem>>) target(%dma_start3A_789 : memref<16x1024xf32, #tpu.memory_space<hbm>>) target_semaphore(%arg16 : memref<!tpu.dma_semaphore, #tpu.memory_space<semaphore_mem>>)
    %dma_wait3A_794 = arith.constant 2 : i32
    %dma_wait3A_795 = arith.constant 0 : i32
    %dma_wait3A_796 = arith.constant 0 : i32
    %dma_wait3A_797 = tpu.memref_slice %arg7[%dma_wait3A_794, %dma_wait3A_795, %dma_wait3A_796] : memref<6x16x1024xf32, #tpu.memory_space<vmem>> -> memref<1x16x1024xf32, #tpu.memory_space<vmem>>
    %dma_wait3A_798 = tpu.memref_squeeze %dma_wait3A_797 : memref<1x16x1024xf32, #tpu.memory_space<vmem>> -> memref<16x1024xf32, #tpu.memory_space<vmem>>
    %dma_wait3A_799 = arith.constant 224 : i32
    %dma_wait3A_800 = tpu.memref_slice %arg6[%dma_wait3A_799] : memref<256xi32, #tpu.memory_space<vmem>> -> memref<16xi32, #tpu.memory_space<vmem>>
    %dma_wait3A_801 = arith.constant 0 : i32
    %dma_wait3A_802 = arith.constant 0 : i32
    %dma_wait3A_803 = tpu.memref_slice %arg3[%dma_wait3A_801, %dma_wait3A_802] : memref<100000x1024xf32, #tpu.memory_space<hbm>> -> memref<100000x1024xf32, #tpu.memory_space<hbm>>
    tpu.wait_indirect_dma semaphore(%arg11 : memref<!tpu.dma_semaphore, #tpu.memory_space<semaphore_mem>>) src(%dma_wait3A_803 : memref<100000x1024xf32, #tpu.memory_space<hbm>>) dst(%dma_wait3A_798 : memref<16x1024xf32, #tpu.memory_space<vmem>>)
    %add3A_804 = arith.constant 32 : i32
    %add3A_805 = arith.addi %add3A_804, %mul3A_32 : i32
    %add3A_806 = arith.constant 224 : i32
    %add3A_807 = arith.addi %add3A_805, %add3A_806 : i32
    %dma_start3A_808 = arith.constant 2 : i32
    %dma_start3A_809 = arith.constant 0 : i32
    %dma_start3A_810 = arith.constant 0 : i32
    %dma_start3A_811 = tpu.memref_slice %arg7[%dma_start3A_808, %dma_start3A_809, %dma_start3A_810] : memref<6x16x1024xf32, #tpu.memory_space<vmem>> -> memref<1x16x1024xf32, #tpu.memory_space<vmem>>
    %dma_start3A_812 = tpu.memref_squeeze %dma_start3A_811 : memref<1x16x1024xf32, #tpu.memory_space<vmem>> -> memref<16x1024xf32, #tpu.memory_space<vmem>>
    %dma_start3A_813 = arith.constant 0 : i32
    %dma_start3A_814 = tpu.memref_slice %arg5[%select_n3A, %add3A_807, %dma_start3A_813] : memref<4x2080x1024xf32, #tpu.memory_space<hbm>> -> memref<1x16x1024xf32, #tpu.memory_space<hbm>>
    %dma_start3A_815 = tpu.memref_squeeze %dma_start3A_814 : memref<1x16x1024xf32, #tpu.memory_space<hbm>> -> memref<16x1024xf32, #tpu.memory_space<hbm>>
    %dma_start3A_816 = arith.constant 0 : i32
    %dma_start3A_817 = tpu.memref_slice %arg5[%select_n3A, %add3A_807, %dma_start3A_816] : memref<4x2080x1024xf32, #tpu.memory_space<hbm>> -> memref<1x16x1024xf32, #tpu.memory_space<hbm>>
    %dma_start3A_818 = tpu.memref_squeeze %dma_start3A_817 : memref<1x16x1024xf32, #tpu.memory_space<hbm>> -> memref<16x1024xf32, #tpu.memory_space<hbm>>
    %dma_start3A_819 = arith.constant 0 : i32
    %dma_start3A_820 = arith.constant 0 : i32
    %dma_start3A_821 = tpu.memref_slice %arg7[%dma_start3A_808, %dma_start3A_819, %dma_start3A_820] : memref<6x16x1024xf32, #tpu.memory_space<vmem>> -> memref<1x16x1024xf32, #tpu.memory_space<vmem>>
    %dma_start3A_822 = tpu.memref_squeeze %dma_start3A_821 : memref<1x16x1024xf32, #tpu.memory_space<vmem>> -> memref<16x1024xf32, #tpu.memory_space<vmem>>
    tpu.enqueue_dma source(%dma_start3A_822 : memref<16x1024xf32, #tpu.memory_space<vmem>>) target(%dma_start3A_818 : memref<16x1024xf32, #tpu.memory_space<hbm>>) target_semaphore(%arg17 : memref<!tpu.dma_semaphore, #tpu.memory_space<semaphore_mem>>)
    %dma_wait3A_823 = arith.constant 3 : i32
    %dma_wait3A_824 = arith.constant 0 : i32
    %dma_wait3A_825 = arith.constant 0 : i32
    %dma_wait3A_826 = tpu.memref_slice %arg7[%dma_wait3A_823, %dma_wait3A_824, %dma_wait3A_825] : memref<6x16x1024xf32, #tpu.memory_space<vmem>> -> memref<1x16x1024xf32, #tpu.memory_space<vmem>>
    %dma_wait3A_827 = tpu.memref_squeeze %dma_wait3A_826 : memref<1x16x1024xf32, #tpu.memory_space<vmem>> -> memref<16x1024xf32, #tpu.memory_space<vmem>>
    %dma_wait3A_828 = arith.constant 240 : i32
    %dma_wait3A_829 = tpu.memref_slice %arg6[%dma_wait3A_828] : memref<256xi32, #tpu.memory_space<vmem>> -> memref<16xi32, #tpu.memory_space<vmem>>
    %dma_wait3A_830 = arith.constant 0 : i32
    %dma_wait3A_831 = arith.constant 0 : i32
    %dma_wait3A_832 = tpu.memref_slice %arg3[%dma_wait3A_830, %dma_wait3A_831] : memref<100000x1024xf32, #tpu.memory_space<hbm>> -> memref<100000x1024xf32, #tpu.memory_space<hbm>>
    tpu.wait_indirect_dma semaphore(%arg12 : memref<!tpu.dma_semaphore, #tpu.memory_space<semaphore_mem>>) src(%dma_wait3A_832 : memref<100000x1024xf32, #tpu.memory_space<hbm>>) dst(%dma_wait3A_827 : memref<16x1024xf32, #tpu.memory_space<vmem>>)
    %add3A_833 = arith.constant 32 : i32
    %add3A_834 = arith.addi %add3A_833, %mul3A_32 : i32
    %add3A_835 = arith.constant 240 : i32
    %add3A_836 = arith.addi %add3A_834, %add3A_835 : i32
    %dma_start3A_837 = arith.constant 3 : i32
    %dma_start3A_838 = arith.constant 0 : i32
    %dma_start3A_839 = arith.constant 0 : i32
    %dma_start3A_840 = tpu.memref_slice %arg7[%dma_start3A_837, %dma_start3A_838, %dma_start3A_839] : memref<6x16x1024xf32, #tpu.memory_space<vmem>> -> memref<1x16x1024xf32, #tpu.memory_space<vmem>>
    %dma_start3A_841 = tpu.memref_squeeze %dma_start3A_840 : memref<1x16x1024xf32, #tpu.memory_space<vmem>> -> memref<16x1024xf32, #tpu.memory_space<vmem>>
    %dma_start3A_842 = arith.constant 0 : i32
    %dma_start3A_843 = tpu.memref_slice %arg5[%select_n3A, %add3A_836, %dma_start3A_842] : memref<4x2080x1024xf32, #tpu.memory_space<hbm>> -> memref<1x16x1024xf32, #tpu.memory_space<hbm>>
    %dma_start3A_844 = tpu.memref_squeeze %dma_start3A_843 : memref<1x16x1024xf32, #tpu.memory_space<hbm>> -> memref<16x1024xf32, #tpu.memory_space<hbm>>
    %dma_start3A_845 = arith.constant 0 : i32
    %dma_start3A_846 = tpu.memref_slice %arg5[%select_n3A, %add3A_836, %dma_start3A_845] : memref<4x2080x1024xf32, #tpu.memory_space<hbm>> -> memref<1x16x1024xf32, #tpu.memory_space<hbm>>
    %dma_start3A_847 = tpu.memref_squeeze %dma_start3A_846 : memref<1x16x1024xf32, #tpu.memory_space<hbm>> -> memref<16x1024xf32, #tpu.memory_space<hbm>>
    %dma_start3A_848 = arith.constant 0 : i32
    %dma_start3A_849 = arith.constant 0 : i32
    %dma_start3A_850 = tpu.memref_slice %arg7[%dma_start3A_837, %dma_start3A_848, %dma_start3A_849] : memref<6x16x1024xf32, #tpu.memory_space<vmem>> -> memref<1x16x1024xf32, #tpu.memory_space<vmem>>
    %dma_start3A_851 = tpu.memref_squeeze %dma_start3A_850 : memref<1x16x1024xf32, #tpu.memory_space<vmem>> -> memref<16x1024xf32, #tpu.memory_space<vmem>>
    tpu.enqueue_dma source(%dma_start3A_851 : memref<16x1024xf32, #tpu.memory_space<vmem>>) target(%dma_start3A_847 : memref<16x1024xf32, #tpu.memory_space<hbm>>) target_semaphore(%arg18 : memref<!tpu.dma_semaphore, #tpu.memory_space<semaphore_mem>>)
    %convert_element_type3A_852 = arith.extui %lt3A_34 : i1 to i32
    %cond3A_853 = arith.constant 0 : i32
    %cond3A_854 = arith.cmpi ne, %convert_element_type3A_852, %cond3A_853 : i32
    scf.if %cond3A_854 {
      %dma_wait3A_948 = arith.constant 0 : i32
      %dma_wait3A_949 = tpu.memref_slice %arg4[%mul3A_76, %dma_wait3A_948] : memref<32x1024xf32, #tpu.memory_space<hbm>> -> memref<8x1024xf32, #tpu.memory_space<hbm>>
      %dma_wait3A_950 = arith.constant 0 : i32
      %dma_wait3A_951 = tpu.memref_slice %arg4[%mul3A_76, %dma_wait3A_950] : memref<32x1024xf32, #tpu.memory_space<hbm>> -> memref<8x1024xf32, #tpu.memory_space<hbm>>
      tpu.wait_dma2 semaphore(%arg21 : memref<!tpu.dma_semaphore, #tpu.memory_space<semaphore_mem>>) src(%dma_wait3A_951 : memref<8x1024xf32, #tpu.memory_space<hbm>>) dst(%arg8 : memref<8x1024xf32, #tpu.memory_space<vmem>>)
      %dma_start3A_952 = arith.constant 0 : i32
      %dma_start3A_953 = tpu.memref_slice %arg5[%select_n3A_58, %mul3A_76, %dma_start3A_952] : memref<4x2080x1024xf32, #tpu.memory_space<hbm>> -> memref<1x8x1024xf32, #tpu.memory_space<hbm>>
      %dma_start3A_954 = tpu.memref_squeeze %dma_start3A_953 : memref<1x8x1024xf32, #tpu.memory_space<hbm>> -> memref<8x1024xf32, #tpu.memory_space<hbm>>
      %dma_start3A_955 = arith.constant 0 : i32
      %dma_start3A_956 = tpu.memref_slice %arg5[%select_n3A_58, %mul3A_76, %dma_start3A_955] : memref<4x2080x1024xf32, #tpu.memory_space<hbm>> -> memref<1x8x1024xf32, #tpu.memory_space<hbm>>
      %dma_start3A_957 = tpu.memref_squeeze %dma_start3A_956 : memref<1x8x1024xf32, #tpu.memory_space<hbm>> -> memref<8x1024xf32, #tpu.memory_space<hbm>>
      tpu.enqueue_dma source(%arg8 : memref<8x1024xf32, #tpu.memory_space<vmem>>) target(%dma_start3A_957 : memref<8x1024xf32, #tpu.memory_space<hbm>>) target_semaphore(%arg21 : memref<!tpu.dma_semaphore, #tpu.memory_space<semaphore_mem>>)
    } else {
    }
    %dma_wait3A_855 = arith.constant 4 : i32
    %dma_wait3A_856 = arith.constant 0 : i32
    %dma_wait3A_857 = arith.constant 0 : i32
    %dma_wait3A_858 = tpu.memref_slice %arg7[%dma_wait3A_855, %dma_wait3A_856, %dma_wait3A_857] : memref<6x16x1024xf32, #tpu.memory_space<vmem>> -> memref<1x16x1024xf32, #tpu.memory_space<vmem>>
    %dma_wait3A_859 = tpu.memref_squeeze %dma_wait3A_858 : memref<1x16x1024xf32, #tpu.memory_space<vmem>> -> memref<16x1024xf32, #tpu.memory_space<vmem>>
    %dma_wait3A_860 = arith.constant 0 : i32
    %dma_wait3A_861 = tpu.memref_slice %arg5[%select_n3A, %add3A_666, %dma_wait3A_860] : memref<4x2080x1024xf32, #tpu.memory_space<hbm>> -> memref<1x16x1024xf32, #tpu.memory_space<hbm>>
    %dma_wait3A_862 = tpu.memref_squeeze %dma_wait3A_861 : memref<1x16x1024xf32, #tpu.memory_space<hbm>> -> memref<16x1024xf32, #tpu.memory_space<hbm>>
    %dma_wait3A_863 = arith.constant 0 : i32
    %dma_wait3A_864 = tpu.memref_slice %arg5[%select_n3A, %add3A_666, %dma_wait3A_863] : memref<4x2080x1024xf32, #tpu.memory_space<hbm>> -> memref<1x16x1024xf32, #tpu.memory_space<hbm>>
    %dma_wait3A_865 = tpu.memref_squeeze %dma_wait3A_864 : memref<1x16x1024xf32, #tpu.memory_space<hbm>> -> memref<16x1024xf32, #tpu.memory_space<hbm>>
    %dma_wait3A_866 = arith.constant 0 : i32
    %dma_wait3A_867 = arith.constant 0 : i32
    %dma_wait3A_868 = tpu.memref_slice %arg7[%dma_wait3A_855, %dma_wait3A_866, %dma_wait3A_867] : memref<6x16x1024xf32, #tpu.memory_space<vmem>> -> memref<1x16x1024xf32, #tpu.memory_space<vmem>>
    %dma_wait3A_869 = tpu.memref_squeeze %dma_wait3A_868 : memref<1x16x1024xf32, #tpu.memory_space<vmem>> -> memref<16x1024xf32, #tpu.memory_space<vmem>>
    tpu.wait_dma2 semaphore(%arg19 : memref<!tpu.dma_semaphore, #tpu.memory_space<semaphore_mem>>) src(%dma_wait3A_869 : memref<16x1024xf32, #tpu.memory_space<vmem>>) dst(%dma_wait3A_865 : memref<16x1024xf32, #tpu.memory_space<hbm>>)
    %dma_wait3A_870 = arith.constant 5 : i32
    %dma_wait3A_871 = arith.constant 0 : i32
    %dma_wait3A_872 = arith.constant 0 : i32
    %dma_wait3A_873 = tpu.memref_slice %arg7[%dma_wait3A_870, %dma_wait3A_871, %dma_wait3A_872] : memref<6x16x1024xf32, #tpu.memory_space<vmem>> -> memref<1x16x1024xf32, #tpu.memory_space<vmem>>
    %dma_wait3A_874 = tpu.memref_squeeze %dma_wait3A_873 : memref<1x16x1024xf32, #tpu.memory_space<vmem>> -> memref<16x1024xf32, #tpu.memory_space<vmem>>
    %dma_wait3A_875 = arith.constant 0 : i32
    %dma_wait3A_876 = tpu.memref_slice %arg5[%select_n3A, %add3A_720, %dma_wait3A_875] : memref<4x2080x1024xf32, #tpu.memory_space<hbm>> -> memref<1x16x1024xf32, #tpu.memory_space<hbm>>
    %dma_wait3A_877 = tpu.memref_squeeze %dma_wait3A_876 : memref<1x16x1024xf32, #tpu.memory_space<hbm>> -> memref<16x1024xf32, #tpu.memory_space<hbm>>
    %dma_wait3A_878 = arith.constant 0 : i32
    %dma_wait3A_879 = tpu.memref_slice %arg5[%select_n3A, %add3A_720, %dma_wait3A_878] : memref<4x2080x1024xf32, #tpu.memory_space<hbm>> -> memref<1x16x1024xf32, #tpu.memory_space<hbm>>
    %dma_wait3A_880 = tpu.memref_squeeze %dma_wait3A_879 : memref<1x16x1024xf32, #tpu.memory_space<hbm>> -> memref<16x1024xf32, #tpu.memory_space<hbm>>
    %dma_wait3A_881 = arith.constant 0 : i32
    %dma_wait3A_882 = arith.constant 0 : i32
    %dma_wait3A_883 = tpu.memref_slice %arg7[%dma_wait3A_870, %dma_wait3A_881, %dma_wait3A_882] : memref<6x16x1024xf32, #tpu.memory_space<vmem>> -> memref<1x16x1024xf32, #tpu.memory_space<vmem>>
    %dma_wait3A_884 = tpu.memref_squeeze %dma_wait3A_883 : memref<1x16x1024xf32, #tpu.memory_space<vmem>> -> memref<16x1024xf32, #tpu.memory_space<vmem>>
    tpu.wait_dma2 semaphore(%arg20 : memref<!tpu.dma_semaphore, #tpu.memory_space<semaphore_mem>>) src(%dma_wait3A_884 : memref<16x1024xf32, #tpu.memory_space<vmem>>) dst(%dma_wait3A_880 : memref<16x1024xf32, #tpu.memory_space<hbm>>)
    %dma_wait3A_885 = arith.constant 0 : i32
    %dma_wait3A_886 = arith.constant 0 : i32
    %dma_wait3A_887 = arith.constant 0 : i32
    %dma_wait3A_888 = tpu.memref_slice %arg7[%dma_wait3A_885, %dma_wait3A_886, %dma_wait3A_887] : memref<6x16x1024xf32, #tpu.memory_space<vmem>> -> memref<1x16x1024xf32, #tpu.memory_space<vmem>>
    %dma_wait3A_889 = tpu.memref_squeeze %dma_wait3A_888 : memref<1x16x1024xf32, #tpu.memory_space<vmem>> -> memref<16x1024xf32, #tpu.memory_space<vmem>>
    %dma_wait3A_890 = arith.constant 0 : i32
    %dma_wait3A_891 = tpu.memref_slice %arg5[%select_n3A, %add3A_749, %dma_wait3A_890] : memref<4x2080x1024xf32, #tpu.memory_space<hbm>> -> memref<1x16x1024xf32, #tpu.memory_space<hbm>>
    %dma_wait3A_892 = tpu.memref_squeeze %dma_wait3A_891 : memref<1x16x1024xf32, #tpu.memory_space<hbm>> -> memref<16x1024xf32, #tpu.memory_space<hbm>>
    %dma_wait3A_893 = arith.constant 0 : i32
    %dma_wait3A_894 = tpu.memref_slice %arg5[%select_n3A, %add3A_749, %dma_wait3A_893] : memref<4x2080x1024xf32, #tpu.memory_space<hbm>> -> memref<1x16x1024xf32, #tpu.memory_space<hbm>>
    %dma_wait3A_895 = tpu.memref_squeeze %dma_wait3A_894 : memref<1x16x1024xf32, #tpu.memory_space<hbm>> -> memref<16x1024xf32, #tpu.memory_space<hbm>>
    %dma_wait3A_896 = arith.constant 0 : i32
    %dma_wait3A_897 = arith.constant 0 : i32
    %dma_wait3A_898 = tpu.memref_slice %arg7[%dma_wait3A_885, %dma_wait3A_896, %dma_wait3A_897] : memref<6x16x1024xf32, #tpu.memory_space<vmem>> -> memref<1x16x1024xf32, #tpu.memory_space<vmem>>
    %dma_wait3A_899 = tpu.memref_squeeze %dma_wait3A_898 : memref<1x16x1024xf32, #tpu.memory_space<vmem>> -> memref<16x1024xf32, #tpu.memory_space<vmem>>
    tpu.wait_dma2 semaphore(%arg15 : memref<!tpu.dma_semaphore, #tpu.memory_space<semaphore_mem>>) src(%dma_wait3A_899 : memref<16x1024xf32, #tpu.memory_space<vmem>>) dst(%dma_wait3A_895 : memref<16x1024xf32, #tpu.memory_space<hbm>>)
    %dma_wait3A_900 = arith.constant 1 : i32
    %dma_wait3A_901 = arith.constant 0 : i32
    %dma_wait3A_902 = arith.constant 0 : i32
    %dma_wait3A_903 = tpu.memref_slice %arg7[%dma_wait3A_900, %dma_wait3A_901, %dma_wait3A_902] : memref<6x16x1024xf32, #tpu.memory_space<vmem>> -> memref<1x16x1024xf32, #tpu.memory_space<vmem>>
    %dma_wait3A_904 = tpu.memref_squeeze %dma_wait3A_903 : memref<1x16x1024xf32, #tpu.memory_space<vmem>> -> memref<16x1024xf32, #tpu.memory_space<vmem>>
    %dma_wait3A_905 = arith.constant 0 : i32
    %dma_wait3A_906 = tpu.memref_slice %arg5[%select_n3A, %add3A_778, %dma_wait3A_905] : memref<4x2080x1024xf32, #tpu.memory_space<hbm>> -> memref<1x16x1024xf32, #tpu.memory_space<hbm>>
    %dma_wait3A_907 = tpu.memref_squeeze %dma_wait3A_906 : memref<1x16x1024xf32, #tpu.memory_space<hbm>> -> memref<16x1024xf32, #tpu.memory_space<hbm>>
    %dma_wait3A_908 = arith.constant 0 : i32
    %dma_wait3A_909 = tpu.memref_slice %arg5[%select_n3A, %add3A_778, %dma_wait3A_908] : memref<4x2080x1024xf32, #tpu.memory_space<hbm>> -> memref<1x16x1024xf32, #tpu.memory_space<hbm>>
    %dma_wait3A_910 = tpu.memref_squeeze %dma_wait3A_909 : memref<1x16x1024xf32, #tpu.memory_space<hbm>> -> memref<16x1024xf32, #tpu.memory_space<hbm>>
    %dma_wait3A_911 = arith.constant 0 : i32
    %dma_wait3A_912 = arith.constant 0 : i32
    %dma_wait3A_913 = tpu.memref_slice %arg7[%dma_wait3A_900, %dma_wait3A_911, %dma_wait3A_912] : memref<6x16x1024xf32, #tpu.memory_space<vmem>> -> memref<1x16x1024xf32, #tpu.memory_space<vmem>>
    %dma_wait3A_914 = tpu.memref_squeeze %dma_wait3A_913 : memref<1x16x1024xf32, #tpu.memory_space<vmem>> -> memref<16x1024xf32, #tpu.memory_space<vmem>>
    tpu.wait_dma2 semaphore(%arg16 : memref<!tpu.dma_semaphore, #tpu.memory_space<semaphore_mem>>) src(%dma_wait3A_914 : memref<16x1024xf32, #tpu.memory_space<vmem>>) dst(%dma_wait3A_910 : memref<16x1024xf32, #tpu.memory_space<hbm>>)
    %dma_wait3A_915 = arith.constant 2 : i32
    %dma_wait3A_916 = arith.constant 0 : i32
    %dma_wait3A_917 = arith.constant 0 : i32
    %dma_wait3A_918 = tpu.memref_slice %arg7[%dma_wait3A_915, %dma_wait3A_916, %dma_wait3A_917] : memref<6x16x1024xf32, #tpu.memory_space<vmem>> -> memref<1x16x1024xf32, #tpu.memory_space<vmem>>
    %dma_wait3A_919 = tpu.memref_squeeze %dma_wait3A_918 : memref<1x16x1024xf32, #tpu.memory_space<vmem>> -> memref<16x1024xf32, #tpu.memory_space<vmem>>
    %dma_wait3A_920 = arith.constant 0 : i32
    %dma_wait3A_921 = tpu.memref_slice %arg5[%select_n3A, %add3A_807, %dma_wait3A_920] : memref<4x2080x1024xf32, #tpu.memory_space<hbm>> -> memref<1x16x1024xf32, #tpu.memory_space<hbm>>
    %dma_wait3A_922 = tpu.memref_squeeze %dma_wait3A_921 : memref<1x16x1024xf32, #tpu.memory_space<hbm>> -> memref<16x1024xf32, #tpu.memory_space<hbm>>
    %dma_wait3A_923 = arith.constant 0 : i32
    %dma_wait3A_924 = tpu.memref_slice %arg5[%select_n3A, %add3A_807, %dma_wait3A_923] : memref<4x2080x1024xf32, #tpu.memory_space<hbm>> -> memref<1x16x1024xf32, #tpu.memory_space<hbm>>
    %dma_wait3A_925 = tpu.memref_squeeze %dma_wait3A_924 : memref<1x16x1024xf32, #tpu.memory_space<hbm>> -> memref<16x1024xf32, #tpu.memory_space<hbm>>
    %dma_wait3A_926 = arith.constant 0 : i32
    %dma_wait3A_927 = arith.constant 0 : i32
    %dma_wait3A_928 = tpu.memref_slice %arg7[%dma_wait3A_915, %dma_wait3A_926, %dma_wait3A_927] : memref<6x16x1024xf32, #tpu.memory_space<vmem>> -> memref<1x16x1024xf32, #tpu.memory_space<vmem>>
    %dma_wait3A_929 = tpu.memref_squeeze %dma_wait3A_928 : memref<1x16x1024xf32, #tpu.memory_space<vmem>> -> memref<16x1024xf32, #tpu.memory_space<vmem>>
    tpu.wait_dma2 semaphore(%arg17 : memref<!tpu.dma_semaphore, #tpu.memory_space<semaphore_mem>>) src(%dma_wait3A_929 : memref<16x1024xf32, #tpu.memory_space<vmem>>) dst(%dma_wait3A_925 : memref<16x1024xf32, #tpu.memory_space<hbm>>)
    %dma_wait3A_930 = arith.constant 3 : i32
    %dma_wait3A_931 = arith.constant 0 : i32
    %dma_wait3A_932 = arith.constant 0 : i32
    %dma_wait3A_933 = tpu.memref_slice %arg7[%dma_wait3A_930, %dma_wait3A_931, %dma_wait3A_932] : memref<6x16x1024xf32, #tpu.memory_space<vmem>> -> memref<1x16x1024xf32, #tpu.memory_space<vmem>>
    %dma_wait3A_934 = tpu.memref_squeeze %dma_wait3A_933 : memref<1x16x1024xf32, #tpu.memory_space<vmem>> -> memref<16x1024xf32, #tpu.memory_space<vmem>>
    %dma_wait3A_935 = arith.constant 0 : i32
    %dma_wait3A_936 = tpu.memref_slice %arg5[%select_n3A, %add3A_836, %dma_wait3A_935] : memref<4x2080x1024xf32, #tpu.memory_space<hbm>> -> memref<1x16x1024xf32, #tpu.memory_space<hbm>>
    %dma_wait3A_937 = tpu.memref_squeeze %dma_wait3A_936 : memref<1x16x1024xf32, #tpu.memory_space<hbm>> -> memref<16x1024xf32, #tpu.memory_space<hbm>>
    %dma_wait3A_938 = arith.constant 0 : i32
    %dma_wait3A_939 = tpu.memref_slice %arg5[%select_n3A, %add3A_836, %dma_wait3A_938] : memref<4x2080x1024xf32, #tpu.memory_space<hbm>> -> memref<1x16x1024xf32, #tpu.memory_space<hbm>>
    %dma_wait3A_940 = tpu.memref_squeeze %dma_wait3A_939 : memref<1x16x1024xf32, #tpu.memory_space<hbm>> -> memref<16x1024xf32, #tpu.memory_space<hbm>>
    %dma_wait3A_941 = arith.constant 0 : i32
    %dma_wait3A_942 = arith.constant 0 : i32
    %dma_wait3A_943 = tpu.memref_slice %arg7[%dma_wait3A_930, %dma_wait3A_941, %dma_wait3A_942] : memref<6x16x1024xf32, #tpu.memory_space<vmem>> -> memref<1x16x1024xf32, #tpu.memory_space<vmem>>
    %dma_wait3A_944 = tpu.memref_squeeze %dma_wait3A_943 : memref<1x16x1024xf32, #tpu.memory_space<vmem>> -> memref<16x1024xf32, #tpu.memory_space<vmem>>
    tpu.wait_dma2 semaphore(%arg18 : memref<!tpu.dma_semaphore, #tpu.memory_space<semaphore_mem>>) src(%dma_wait3A_944 : memref<16x1024xf32, #tpu.memory_space<vmem>>) dst(%dma_wait3A_940 : memref<16x1024xf32, #tpu.memory_space<hbm>>)
    %convert_element_type3A_945 = arith.extui %lt3A_34 : i1 to i32
    %cond3A_946 = arith.constant 0 : i32
    %cond3A_947 = arith.cmpi ne, %convert_element_type3A_945, %cond3A_946 : i32
    scf.if %cond3A_947 {
      %dma_wait3A_948 = arith.constant 0 : i32
      %dma_wait3A_949 = tpu.memref_slice %arg5[%select_n3A_58, %mul3A_76, %dma_wait3A_948] : memref<4x2080x1024xf32, #tpu.memory_space<hbm>> -> memref<1x8x1024xf32, #tpu.memory_space<hbm>>
      %dma_wait3A_950 = tpu.memref_squeeze %dma_wait3A_949 : memref<1x8x1024xf32, #tpu.memory_space<hbm>> -> memref<8x1024xf32, #tpu.memory_space<hbm>>
      %dma_wait3A_951 = arith.constant 0 : i32
      %dma_wait3A_952 = tpu.memref_slice %arg5[%select_n3A_58, %mul3A_76, %dma_wait3A_951] : memref<4x2080x1024xf32, #tpu.memory_space<hbm>> -> memref<1x8x1024xf32, #tpu.memory_space<hbm>>
      %dma_wait3A_953 = tpu.memref_squeeze %dma_wait3A_952 : memref<1x8x1024xf32, #tpu.memory_space<hbm>> -> memref<8x1024xf32, #tpu.memory_space<hbm>>
      tpu.wait_dma2 semaphore(%arg21 : memref<!tpu.dma_semaphore, #tpu.memory_space<semaphore_mem>>) src(%arg8 : memref<8x1024xf32, #tpu.memory_space<vmem>>) dst(%dma_wait3A_953 : memref<8x1024xf32, #tpu.memory_space<hbm>>)
    } else {
    }
    return
  }
}

</mosaic_0001>

<sc_bundles>
// kernel: kernel.3.cloned.1.call-start
scs
__scs_entry_jumppad:
0x0: {  	(pc) =	sbr.rel $0x88, $3  }
0x1: {  	(tag) =	ssettag $0x0;
	lr =	simm.s32 $0x1  }
0x2: {  	[smem:$0x3F9E] =	sst lr;
	_ =	strace $0xD0000000  }
0x3: {  	_ = 	snop  }
0x4: {  	_ = 	snop  }
0x5: {  	_ = 	snop  }
0x6: {  	_ = 	snop  }
0x7: {  	_ = 	snop  }
__scs_overlays_trampoline_lowered:
0x8: {  	[smem:$0x3FAD] =	sst s0  }
0x9: {  	[smem:$0x3FAE] =	sst s1  }
0xa: {  	[smem:$0x3FAF] =	sst s2  }
0xb: {  	[smem:$0x3FB0] =	sst s3  }
0xc: {  	[smem:$0x3FB1] =	sst s4  }
0xd: {  	[smem:$0x3FB2] =	sst s5  }
0xe: {  	[smem:$0x3FB3] =	sst s6  }
0xf: {  	[smem:$0x3FB4] =	sst s7  }
0x10: {  	[smem:$0x3FB5] =	sst s8  }
0x11: {  	[smem:$0x3FB6] =	sst s9;
	s0 =	simm.s32 @!p0 $0x0  }
0x12: {  	s1 =	sld [smem:$0x3F9C];
	s0 =	simm.s32 @p0 $0x1  }
0x13: {  	[smem:$0x3FB7] =	sst s0;
	s0 =	simm.s32 @!p1 $0x0  }
0x14: {  	s2 =	sld [smem:$0x3F9B];
	s0 =	simm.s32 @p1 $0x1  }
0x15: {  	[smem:$0x3FB8] =	sst s0;
	s0 =	simm.s32 @!p2 $0x0  }
0x16: {  	s3 =	sld [smem:$0x3FDB];
	s0 =	simm.s32 @p2 $0x1  }
0x17: {  	s4 =	simm.s32 $0x1BF5;
	[smem:$0x3FBA] =	sst s0  }
0x18: {  	s0 =	sld [smem:$0x3F9D];
	_ =	swait.ge [sflag:s4], $0x0  }
0x19: {  	s7 =	sld [smem:$0x3F9E]  }
0x1a: {  	s8 =	sadd.s32 $0xFFFFE003, lr  }
0x1b: {  	s9 =	sadd.s32 $0xFFFFFEF7, lr;
	s5 =	simm.s32 $0xFFFFFFFF;
	p2 =	slt.u32 s8, $0xFFFFF086  }
0x1c: {  	p1 =	slt.u32 s9, $0xF7A;
	s5 =	simm.s32 @!p2 $0x0  }
0x1d: {  	s5 =	simm.s32 @p1 $0x1;
	p0 =	seq.s32 s7, s2  }
0x1e: {  	s7 =	smul.u32 @!p0 $0xF7A, s2;
	p2 =	seq.s32 @!p0 s5, $0x0  }
0x1f: {  	s9 =	smul.u32 $0xF7A, s1;
	s8 =	simm.s32 @!p0 $0x1BF5;
	p2 =	por !p2, p0  }
0x20: {  	[sflag:s8] =	ssyncset.s32 @!p0 $0xFFFFF086;
	s6 =	sadd.s32 @!p0 s3, s7;
	s7 =	simm.s32 @!p0 $0x108  }
0x21: {  	s3 =	sadd.s32 s3, s9;
	s6 =	sadd.s32 @!p0 $0x88, s6;
	s7 =	simm.s32 @p2 $0x1082  }
0x22: {  	[simem:s7], [sflag:s8] =	dma.local @!p0 [hbm:s6], $0xF7A  }
0x23: {  	s9 =	sor.u32 $0xD0000000, s2;
	s6 =	simm.s32 $0x108;
	_ =	swait.ge @!p0 [sflag:s8], $0x0  }
0x24: {  	s3 =	sadd.s32 $0x88, s3;
	s6 =	simm.s32 @!p1 $0x1082;
	[sflag:s4] =	ssyncset.s32 $0xFFFFF086  }
0x25: {  	[simem:s6], [sflag:s4] =	dma.local [hbm:s3], $0xF7A  }
0x26: {  	[smem:$0x3F9E] =	sst s1;
	(tag) =	ssettag s2;
	_ =	strace s9  }
0x27: {  	s1 =	sld [smem:$0x3FAE]  }
0x28: {  	s2 =	sld [smem:$0x3FAF]  }
0x29: {  	s4 =	sld [smem:$0x3FB1]  }
0x2a: {  	p0 =	seq.s32 s5, $0x0;
	s5 =	sld [smem:$0x3FB2]  }
0x2b: {  	s6 =	sld [smem:$0x3FB3]  }
0x2c: {  	s7 =	sld [smem:$0x3FB4]  }
0x2d: {  	s3 =	simm.s32 $0x108;
	s8 =	sld [smem:$0x3FB5]  }
0x2e: {  	s3 =	simm.s32 @!p0 $0x1082;
	s9 =	sld [smem:$0x3FB6]  }
0x2f: {  	lr =	sadd.s32 s0, s3;
	s0 =	sld [smem:$0x3FAD]  }
0x30: {  	s3 =	sld [smem:$0x3FB0]  }
0x31: {  	[smem:$0x3FB9] =	sst s10  }
0x32: {  	s10 =	sld [smem:$0x3FB7];
	_ =	sdelay $0x3  }
0x33: {  	p0 =	seq.s32 s10, $0x1;
	s10 =	sld [smem:$0x3FB9];
	_ =	sdelay $0x3  }
0x34: {  	[smem:$0x3FB9] =	sst s10  }
0x35: {  	s10 =	sld [smem:$0x3FB8];
	_ =	sdelay $0x3  }
0x36: {  	p1 =	seq.s32 s10, $0x1;
	s10 =	sld [smem:$0x3FB9];
	_ =	sdelay $0x3  }
0x37: {  	[smem:$0x3FB9] =	sst s10  }
0x38: {  	s10 =	sld [smem:$0x3FBA]  }
0x39: {  	_ = 	snop;
	(pc) =	sbr.ind lr, $3  }
0x3a: {  	_ = 	snop  }
0x3b: {  	_ = 	snop  }
0x3c: {  	p2 =	seq.s32 s10, $0x1;
	s10 =	sld [smem:$0x3FB9]  }
0x3d: {  	_ =	shalt  }
0x3e: {  	_ =	shalt  }
0x3f: {  	_ =	shalt  }
0x40: {  	_ =	shalt  }
0x41: {  	_ =	shalt  }
0x42: {  	_ =	shalt  }
0x43: {  	_ =	shalt  }
0x44: {  	_ =	shalt  }
0x45: {  	_ =	shalt  }
0x46: {  	_ =	shalt  }
0x47: {  	_ =	shalt  }
0x48: {  	_ =	shalt  }
0x49: {  	_ =	shalt  }
0x4a: {  	_ =	shalt  }
0x4b: {  	_ =	shalt  }
0x4c: {  	_ =	shalt  }
0x4d: {  	_ =	shalt  }
0x4e: {  	_ =	shalt  }
0x4f: {  	_ =	shalt  }
0x50: {  	_ =	shalt  }
0x51: {  	_ =	shalt  }
0x52: {  	_ =	shalt  }
0x53: {  	_ =	shalt  }
0x54: {  	_ =	shalt  }
0x55: {  	_ =	shalt  }
0x56: {  	_ =	shalt  }
0x57: {  	_ =	shalt  }
0x58: {  	_ =	shalt  }
0x59: {  	_ =	shalt  }
0x5a: {  	_ =	shalt  }
0x5b: {  	_ =	shalt  }
0x5c: {  	_ =	shalt  }
0x5d: {  	_ =	shalt  }
0x5e: {  	_ =	shalt  }
0x5f: {  	_ =	shalt  }
0x60: {  	_ =	shalt  }
0x61: {  	_ =	shalt  }
0x62: {  	_ =	shalt  }
0x63: {  	_ =	shalt  }
0x64: {  	_ =	shalt  }
0x65: {  	_ =	shalt  }
0x66: {  	_ =	shalt  }
0x67: {  	_ =	shalt  }
0x68: {  	_ =	shalt  }
0x69: {  	_ =	shalt  }
0x6a: {  	_ =	shalt  }
0x6b: {  	_ =	shalt  }
0x6c: {  	_ =	shalt  }
0x6d: {  	_ =	shalt  }
0x6e: {  	_ =	shalt  }
0x6f: {  	_ =	shalt  }
0x70: {  	_ =	shalt  }
0x71: {  	_ =	shalt  }
0x72: {  	_ =	shalt  }
0x73: {  	_ =	shalt  }
0x74: {  	_ =	shalt  }
0x75: {  	_ =	shalt  }
0x76: {  	_ =	shalt  }
0x77: {  	_ =	shalt  }
0x78: {  	_ =	shalt  }
0x79: {  	_ =	shalt  }
0x7a: {  	_ =	shalt  }
0x7b: {  	_ =	shalt  }
0x7c: {  	_ =	shalt  }
0x7d: {  	_ =	shalt  }
0x7e: {  	_ =	shalt  }
0x7f: {  	_ =	shalt  }
0x80: {  	_ =	shalt  }
0x81: {  	_ =	shalt  }
0x82: {  	_ =	shalt  }
0x83: {  	_ =	shalt  }
0x84: {  	_ =	shalt  }
0x85: {  	_ =	shalt  }
0x86: {  	_ =	shalt  }
0x87: {  	_ =	shalt  }
.Lfunc_end0:
.L_simem_size_0:
called_computation_lowered:
.L_overlay_start_0:
0x88: {  	s2 =	sld [smem:$0x3FD9]  }
0x89: {  	s3 =	sld [smem:$0x3FFE];
	_ =	sdelay $0x1  }
0x8a: {  	s1 =	srdreg.scid  }
0x8b: {  	s0 =	sand.u32 $0x1, s1  }
0x8c: {  	s17 =	sshll.u32 s0, $0xA;
	s2 =	sadd.s32 s3, s2  }
0x8d: {  	s2 =	sadd.s32 s2, s17  }
0x8e: {  	[smem:$0x3FC5] =	sst s2  }
0x8f: {  	_ = 	snop  }
0x90: {  	s2 =	sld [smem:$0x3FC8]  }
0x91: {  	s18 =	sld [smem:$0x3FC7]  }
0x92: {  	s4 =	sld [smem:$0x3FD0];
	(tm) =	ssettm $0x1  }
0x93: {  	s5 =	sld [smem:$0x3FFB];
	_ =	sdelay $0x3  }
0x94: {  	_ =	strace s5  }
0x95: {  	s5 =	sld [smem:$0x3FFC];
	_ =	sdelay $0x3  }
0x96: {  	_ =	strace s5  }
0x97: {  	s5 =	sld [smem:$0x3FFD];
	_ =	sdelay $0x3  }
0x98: {  	_ =	strace s5  }
0x99: {  	_ =	strace $0x8FFFFFFF  }
0x9a: {  	s19 =	sld [smem:$0x3FDB];
	_ =	sdelay $0x1  }
0x9b: {  	s6 =	simm.s32 $_scs_section_size  }
0x9c: {  	s7 =	simm.s32 $_size__tile_overlayer_lowered;
	s8 =	simm.s32 $_tile_overlayer_lowered  }
0x9d: {  	s22 =	simm.s32 $0x1BFF;
	s21 =	sshll.u32 s8, $0x1;
	s5 =	sadd.s32 s6, s19  }
0x9e: {  	s9 =	simm.s32 $0x0;
	s20 =	sshll.u32 s7, $0x1;
	s7 =	sadd.s32 s21, s5  }
0x9f: {  	[timem:s9], [sflag:s22] =	dma.local [hbm:s7], s20  }
0xa0: {  	_ =	swait.ge [sflag:s22], s20  }
0xa1: {  	s6 =	ssub.s32 $0x0, s20;
	[sflag:s22] =	ssyncset.done $0x0  }
0xa2: {  	[sflag:s22] =	ssyncadd.s32 s6;
	_ =	sdelay $0x1  }
0xa3: {  	s23 =	simm.s32 $0x1B8B  }
0xa4: {  	_ =	swait.ge [sflag:s23], $0x1  }
0xa5: {  	[sflag:s23] =	ssyncset.done $0x0  }
0xa6: {  	s25 =	simm.s32 $0x1B8E;
	s24 =	sld [smem:$0x3FFE];
	[sflag:s23] =	ssyncadd.s32 $0xFFFFFFFF  }
0xa7: {  	s26 =	simm.s32 $execute0_lowered;
	[smem:$0x3FD2] =	sst s25  }
0xa8: {  	s7 =	sshll.u32 s26, $0x1;
	_ =	strace $0x80000046;
	[dreg:$0x1] =	wrdreg $0xFFFFFFFF  }
0xa9: {  	s28 =	simm.s32 $_size_execute0_lowered;
	s5 =	sadd.s32 s5, s7;
	[dreg:$0x0] =	wrdreg $0x0  }
0xaa: {  	s7 =	sshll.u32 s28, $0x1;
	[dreg:$0x2] =	wrdreg s5  }
0xab: {  	[dreg:$0x3] =	wrdreg s7  }
0xac: {  	[dreg:$0x4] =	wrdreg $0xC0  }
0xad: {  	_ =	task [dreg:s9], $0x5FFFF  }
0xae: {  	[dreg:$0x1] =	wrdreg $0xFFFFFFFF  }
0xaf: {  	[dreg:$0x0] =	wrdreg $0x60  }
0xb0: {  	[dreg:$0x2] =	wrdreg s24  }
0xb1: {  	[dreg:$0x3] =	wrdreg s2  }
0xb2: {  	[dreg:$0x4] =	wrdreg s18  }
0xb3: {  	[dreg:$0x5] =	wrdreg s4  }
0xb4: {  	[dreg:$0x6] =	wrdreg $0x9  }
0xb5: {  	_ =	task.clear_ibuf [dreg:s9], $0x7FFFF;
	_ =	strace $0x90000046  }
0xb6: {  	s29 =	simm.s32 $0x9;
	_ =	strace $0x80000048  }
0xb7: {  	_ =	swait.ge [sflag:s29], $0x1  }
0xb8: {  	[sflag:s29] =	ssyncadd.s32 $0xFFFFFFFF  }
0xb9: {  	_ =	strace $0x90000048  }
0xba: {  	_ =	sfence  }
0xbb: {  	s30 =	sld [smem:$0x0];
	_ =	sdelay $0x2  }
0xbc: {  	s31 =	sshll.u32 s1, $0xD;
	s1 =	sshrl.u32 s1, $0x2  }
0xbd: {  	s3 =	sand.u32 $0x4000, s31;
	s1 =	sadd.s32 s1, s30  }
0xbe: {  	s0 =	sor.u32 s3, s0;
	s1 =	sshll.u32 s1, $0x11  }
0xbf: {  	s0 =	sor.u32 s1, s0  }
0xc0: {  	s0 =	sadd.s32 $0x8F2B, s0  }
0xc1: {  	[sflag:s0] =	ssyncadd.remote.s32 $0x1  }
0xc2: {  	_ =	sfence.sel $0xFFFF  }
0xc3: {  	[dreg:$0x0] =	wrdreg $0xFFFFFFFF;
	(pc) =	sbr.abs _section_cstart, $3  }
0xc4: {  	[dreg:$0x1] =	wrdreg $0xFFFFFFFF  }
0xc5: {  	_ =	task.clear_ibuf [dreg:s9], $0x2FFFF;
	_ =	strace $0x9FFFFFFF  }
0xc6: {  	(tm) =	ssettm $0x7FFFFFFF  }
0xc7: {  	_ =	shalt  }
tec
execute0_lowered:
.L_overlay_start_1:
0x0: {  	(tag) =	ssettag $0x1  }
0x1: {  	s1 =	rddreg [dreg:$0x0]  }
0x2: {  	s2 =	rddreg [dreg:$0x1]  }
0x3: {  	s4 =	rddreg [dreg:$0x2]  }
0x4: {  	s0 =	rddreg [dreg:$0x3];
	s3 =	srdreg.scid  }
0x5: {  	s11 =	stileid.u32;
	s28 =	simm.s32 $0x9;
	s30 =	simm.s32 $0xA  }
0x6: {  	s29 =	simm.s32 $0x11100;
	s5 =	sand.u32 $0x1, s3;
	s6 =	sshll.u32 s11, $0x1  }
0x7: {  	s3 =	simm.s32 $0x0;
	s7 =	sshrl.u32 s11, $0x2;
	s6 =	sor.u32 s5, s6  }
0x8: {  	[smem:$0x7FF] =	sst s3;
	s7 =	smul.u32 $0x208000, s7;
	s8 =	sshll.u32 s6, $0x12  }
0x9: {  	_ =	strace $0x80000047;
	s9 =	sand.u32 $0x3, s6;
	s8 =	sand.u32 $0x1C0000, s8  }
0xa: {  	s6 =	sshll.u32 s6, $0x5;
	s10 =	sshll.u32 s9, $0xA;
	s7 =	sadd.s32 s8, s7  }
0xb: {  	s1 =	sadd.s32 s6, s1;
	s4 =	sadd.s32 s4, s10;
	s25 =	sshrl.u32 s7, $0x3  }
0xc: {  	s1 =	sadd.s32 $0x400, s1;
	[dreg:$0x5] =	wrdreg s4;
	s4 =	sadd.s32 s0, s25  }
0xd: {  	s31 =	simm.s32 $0x11900;
	[dreg:$0x6] =	wrdreg s1;
	s26 =	sadd.s32 $0x1000, s4  }
0xe: {  	s20 =	sshrl.u32 s11, $0x1;
	s6 =	sadd.s32 $0x1800, s4;
	[dreg:$0x7] =	wrdreg s26  }
0xf: {  	p0 =	sgt.u32 s11, $0x7;
	s7 =	sadd.s32 $0x2000, s4;
	[dreg:$0x8] =	wrdreg s6  }
0x10: {  	s11 =	simm.s32 $0x13100;
	s8 =	sadd.s32 $0x2800, s4;
	[dreg:$0x9] =	wrdreg s7  }
0x11: {  	s5 =	ssub.s32 $0x2, s5;
	s10 =	sadd.s32 $0x3000, s4;
	[dreg:$0xa] =	wrdreg s8  }
0x12: {  	s16 =	sshrl.u32 s5, $0x1;
	s12 =	sadd.s32 $0x3800, s4;
	[dreg:$0xb] =	wrdreg s10  }
0x13: {  	s18 =	ssub.s32 s5, s16;
	s13 =	sadd.s32 $0x4000, s4;
	[dreg:$0xc] =	wrdreg s12  }
0x14: {  	s5 =	smul.u32 $0x208000, s20;
	s14 =	sadd.s32 $0x4800, s4;
	[dreg:$0xd] =	wrdreg s13  }
0x15: {  	s23 =	sshll.u32 s9, $0xD;
	s15 =	sadd.s32 $0x5000, s4;
	[dreg:$0xe] =	wrdreg s14  }
0x16: {  	s20 =	simm.s32 $0x10900;
	s17 =	sadd.s32 $0x5800, s4;
	[dreg:$0xf] =	wrdreg s15  }
0x17: {  	s5 =	sor.u32 s5, s23;
	s19 =	sadd.s32 $0x6000, s4;
	[dreg:$0x10] =	wrdreg s17  }
0x18: {  	s23 =	simm.s32 $0x3;
	s21 =	sadd.s32 $0x6800, s4;
	[dreg:$0x11] =	wrdreg s19  }
0x19: {  	s5 =	sshrl.u32 s5, $0x3;
	s22 =	sadd.s32 $0x7000, s4;
	[dreg:$0x12] =	wrdreg s21  }
0x1a: {  	s24 =	sadd.s32 $0x7800, s4;
	s25 =	sadd.s32 $0x8000, s4;
	[dreg:$0x13] =	wrdreg s22  }
0x1b: {  	s0 =	sadd.s32 s0, s5;
	s5 =	sadd.s32 $0x200, s2;
	[dreg:$0x14] =	wrdreg s24  }
0x1c: {  	[dreg:$0x15] =	wrdreg s25;
	s26 =	sadd.s32 $0x8800, s4;
	s4 =	sadd.s32 $0x100, s2  }
0x1d: {  	s6 =	sadd.s32 $0x300, s2;
	[dreg:$0x17] =	wrdreg s0;
	s7 =	smax.u32 s18, $0x1  }
0x1e: {  	v2 =	vlaneseq.u32;
	s18 =	simm.s32 $0x1;
	s21 =	simm.s32 $0x2;
	s22 =	simm.s32 $0x7  }
0x1f: {  	vm0 =	vmmov $0xffff;
	v1 =	vshrl.u32 v2, $0x3;
	s24 =	simm.s32 $0x8;
	s17 =	simm.s32 $0x100;
	s25 =	simm.s32 $0x4100  }
0x20: {  	v0 =	vand.u32 $0x7, v2;
	v2 =	vor.u32 $0x8, v2;
	v1 =	vmul.u32 $0x8, v1;
	s14 =	simm.s32 $0x14100;
	[dreg:$0x16] =	wrdreg s26;
	s26 =	simm.s32 $0x4  }
.LBB2_1:
0x21: {  	s12 =	rddreg [dreg:$0x5];
	s0 =	simm.s32 @!p0 $0x0;
	s1 =	simm.s32 @!p0 $0x18100  }
0x22: {  	[tilespmem:s1], [sflag:$0xD] =	stream.linear.gather @!p0 [hbm4b:s12+s0], $0x2000, $0x38;
	[tilespmem:$0x1A100] =	vst v63  }
0x23: {  	s13 =	rddreg [dreg:$0x6];
	s0 =	simm.s32 $0xE  }
0x24: {  	[tilespmem:s3], [sflag:$0xE] =	stream.linear.gather [hbm4b:s13+s3], $0x100, $0x38;
	[tilespmem:$0x1A100] =	vst v63  }
0x25: {  	_ =	swait.ge [sflag:s0], $0x100  }
0x26: {  	[sflag:s0] =	ssyncset.done $0x0  }
0x27: {  	[sflag:s0] =	ssyncadd.s32 $0xFFFFFF00  }
0x28: {  	v3 =	vld [tilespmem:$0x0];
	_ =	sdelay $0x4  }
0x29: {  	v4 =	vshll.u32 v3, $0x3  }
0x2a: {  	v3 =	vand.u32 $0x7, v3;
	v4 =	vand.u32 $0xFFFFFFC0, v4  }
0x2b: {  	v3 =	vor.u32 v3, v4  }
0x2c: {  	v4 =	vperm.xlane v3, v0;
	_ =	sdelay $0x1  }
0x2d: {  	v4 =	vadd.s32 v1, v4;
	_ =	sdelay $0x4  }
0x2e: {  	[tilespmem:s17], [sflag:$0x1] =	stream.indirect_vreg.gather [hbm4b:s2+s3], $0x80, v4, vm0, $0xb8;
	[tilespmem:$0x1A100] =	vst v63  }
0x2f: {  	s1 =	simm.s32 $0x900;
	v3 =	vperm.xlane v3, v2  }
0x30: {  	[tilespmem:s1], [sflag:$0x1] =	stream.indirect_vreg.gather [hbm4b:s4+s3], $0x80, v4, vm0, $0xb8;
	[tilespmem:$0x1A100] =	vst v63  }
0x31: {  	s8 =	simm.s32 $0x1100;
	v3 =	vadd.s32 v1, v3  }
0x32: {  	[tilespmem:s8], [sflag:$0x1] =	stream.indirect_vreg.gather [hbm4b:s5+s3], $0x80, v4, vm0, $0xb8;
	[tilespmem:$0x1A100] =	vst v63  }
0x33: {  	s9 =	simm.s32 $0x1900  }
0x34: {  	[tilespmem:s9], [sflag:$0x1] =	stream.indirect_vreg.gather [hbm4b:s6+s3], $0x80, v4, vm0, $0xb8;
	[tilespmem:$0x1A100] =	vst v63  }
0x35: {  	s10 =	simm.s32 $0x2100  }
0x36: {  	[tilespmem:s10], [sflag:$0x1] =	stream.indirect_vreg.gather [hbm4b:s2+s3], $0x80, v3, vm0, $0xb8;
	[tilespmem:$0x1A100] =	vst v63  }
0x37: {  	s12 =	simm.s32 $0x2900  }
0x38: {  	[tilespmem:s12], [sflag:$0x1] =	stream.indirect_vreg.gather [hbm4b:s4+s3], $0x80, v3, vm0, $0xb8;
	[tilespmem:$0x1A100] =	vst v63  }
0x39: {  	s13 =	simm.s32 $0x3100  }
0x3a: {  	[tilespmem:s13], [sflag:$0x1] =	stream.indirect_vreg.gather [hbm4b:s5+s3], $0x80, v3, vm0, $0xb8;
	[tilespmem:$0x1A100] =	vst v63  }
0x3b: {  	s16 =	simm.s32 $0x3900  }
0x3c: {  	[tilespmem:s16], [sflag:$0x1] =	stream.indirect_vreg.gather [hbm4b:s6+s3], $0x80, v3, vm0, $0xb8;
	[tilespmem:$0x1A100] =	vst v63  }
0x3d: {  	v3 =	vld [tilespmem:$0x10];
	_ =	sdelay $0x4  }
0x3e: {  	v49 =	vshll.u32 v3, $0x3  }
0x3f: {  	v3 =	vand.u32 $0x7, v3;
	v4 =	vand.u32 $0xFFFFFFC0, v49  }
0x40: {  	v3 =	vor.u32 v3, v4  }
0x41: {  	v4 =	vperm.xlane v3, v0;
	_ =	sdelay $0x1  }
0x42: {  	v4 =	vadd.s32 v1, v4;
	_ =	sdelay $0x4  }
0x43: {  	[tilespmem:s25], [sflag:$0x2] =	stream.indirect_vreg.gather [hbm4b:s2+s3], $0x80, v4, vm0, $0xb8;
	[tilespmem:$0x1A100] =	vst v63  }
0x44: {  	s1 =	simm.s32 $0x4900;
	v3 =	vperm.xlane v3, v2  }
0x45: {  	[tilespmem:s1], [sflag:$0x2] =	stream.indirect_vreg.gather [hbm4b:s4+s3], $0x80, v4, vm0, $0xb8;
	[tilespmem:$0x1A100] =	vst v63  }
0x46: {  	s8 =	simm.s32 $0x5100;
	v3 =	vadd.s32 v1, v3  }
0x47: {  	[tilespmem:s8], [sflag:$0x2] =	stream.indirect_vreg.gather [hbm4b:s5+s3], $0x80, v4, vm0, $0xb8;
	[tilespmem:$0x1A100] =	vst v63  }
0x48: {  	s9 =	simm.s32 $0x5900  }
0x49: {  	[tilespmem:s9], [sflag:$0x2] =	stream.indirect_vreg.gather [hbm4b:s6+s3], $0x80, v4, vm0, $0xb8;
	[tilespmem:$0x1A100] =	vst v63  }
0x4a: {  	s10 =	simm.s32 $0x6100  }
0x4b: {  	[tilespmem:s10], [sflag:$0x2] =	stream.indirect_vreg.gather [hbm4b:s2+s3], $0x80, v3, vm0, $0xb8;
	[tilespmem:$0x1A100] =	vst v63  }
0x4c: {  	s12 =	simm.s32 $0x6900  }
0x4d: {  	[tilespmem:s12], [sflag:$0x2] =	stream.indirect_vreg.gather [hbm4b:s4+s3], $0x80, v3, vm0, $0xb8;
	[tilespmem:$0x1A100] =	vst v63  }
0x4e: {  	s13 =	simm.s32 $0x7100  }
0x4f: {  	[tilespmem:s13], [sflag:$0x2] =	stream.indirect_vreg.gather [hbm4b:s5+s3], $0x80, v3, vm0, $0xb8;
	[tilespmem:$0x1A100] =	vst v63  }
0x50: {  	s1 =	simm.s32 $0x7900  }
0x51: {  	[tilespmem:s1], [sflag:$0x2] =	stream.indirect_vreg.gather [hbm4b:s6+s3], $0x80, v3, vm0, $0xb8;
	[tilespmem:$0x1A100] =	vst v63  }
0x52: {  	v3 =	vld [tilespmem:$0x20];
	_ =	sdelay $0x4  }
0x53: {  	v50 =	vshll.u32 v3, $0x3  }
0x54: {  	v3 =	vand.u32 $0x7, v3;
	v4 =	vand.u32 $0xFFFFFFC0, v50  }
0x55: {  	v3 =	vor.u32 v3, v4  }
0x56: {  	v4 =	vperm.xlane v3, v0;
	_ =	sdelay $0x1  }
0x57: {  	v4 =	vadd.s32 v1, v4;
	_ =	sdelay $0x3  }
0x58: {  	s0 =	simm.s32 $0x8100  }
0x59: {  	[tilespmem:s0], [sflag:$0x3] =	stream.indirect_vreg.gather [hbm4b:s2+s3], $0x80, v4, vm0, $0xb8;
	[tilespmem:$0x1A100] =	vst v63  }
0x5a: {  	s8 =	simm.s32 $0x8900;
	v3 =	vperm.xlane v3, v2  }
0x5b: {  	[tilespmem:s8], [sflag:$0x3] =	stream.indirect_vreg.gather [hbm4b:s4+s3], $0x80, v4, vm0, $0xb8;
	[tilespmem:$0x1A100] =	vst v63  }
0x5c: {  	s9 =	simm.s32 $0x9100;
	v3 =	vadd.s32 v1, v3  }
0x5d: {  	[tilespmem:s9], [sflag:$0x3] =	stream.indirect_vreg.gather [hbm4b:s5+s3], $0x80, v4, vm0, $0xb8;
	[tilespmem:$0x1A100] =	vst v63  }
0x5e: {  	s10 =	simm.s32 $0x9900  }
0x5f: {  	[tilespmem:s10], [sflag:$0x3] =	stream.indirect_vreg.gather [hbm4b:s6+s3], $0x80, v4, vm0, $0xb8;
	[tilespmem:$0x1A100] =	vst v63  }
0x60: {  	s12 =	simm.s32 $0xA100  }
0x61: {  	[tilespmem:s12], [sflag:$0x3] =	stream.indirect_vreg.gather [hbm4b:s2+s3], $0x80, v3, vm0, $0xb8;
	[tilespmem:$0x1A100] =	vst v63  }
0x62: {  	s13 =	simm.s32 $0xA900  }
0x63: {  	[tilespmem:s13], [sflag:$0x3] =	stream.indirect_vreg.gather [hbm4b:s4+s3], $0x80, v3, vm0, $0xb8;
	[tilespmem:$0x1A100] =	vst v63  }
0x64: {  	s8 =	simm.s32 $0xB100  }
0x65: {  	[tilespmem:s8], [sflag:$0x3] =	stream.indirect_vreg.gather [hbm4b:s5+s3], $0x80, v3, vm0, $0xb8;
	[tilespmem:$0x1A100] =	vst v63  }
0x66: {  	s9 =	simm.s32 $0xB900  }
0x67: {  	[tilespmem:s9], [sflag:$0x3] =	stream.indirect_vreg.gather [hbm4b:s6+s3], $0x80, v3, vm0, $0xb8;
	[tilespmem:$0x1A100] =	vst v63  }
0x68: {  	v3 =	vld [tilespmem:$0x30];
	_ =	sdelay $0x4  }
0x69: {  	v51 =	vshll.u32 v3, $0x3  }
0x6a: {  	v3 =	vand.u32 $0x7, v3;
	v4 =	vand.u32 $0xFFFFFFC0, v51  }
0x6b: {  	v3 =	vor.u32 v3, v4  }
0x6c: {  	v4 =	vperm.xlane v3, v0;
	_ =	sdelay $0x1  }
0x6d: {  	v4 =	vadd.s32 v1, v4;
	_ =	sdelay $0x3  }
0x6e: {  	s8 =	simm.s32 $0xC100  }
0x6f: {  	[tilespmem:s8], [sflag:$0x4] =	stream.indirect_vreg.gather [hbm4b:s2+s3], $0x80, v4, vm0, $0xb8;
	[tilespmem:$0x1A100] =	vst v63  }
0x70: {  	s10 =	simm.s32 $0xC900;
	v3 =	vperm.xlane v3, v2  }
0x71: {  	[tilespmem:s10], [sflag:$0x4] =	stream.indirect_vreg.gather [hbm4b:s4+s3], $0x80, v4, vm0, $0xb8;
	[tilespmem:$0x1A100] =	vst v63  }
0x72: {  	s12 =	simm.s32 $0xD100;
	v3 =	vadd.s32 v1, v3  }
0x73: {  	[tilespmem:s12], [sflag:$0x4] =	stream.indirect_vreg.gather [hbm4b:s5+s3], $0x80, v4, vm0, $0xb8;
	[tilespmem:$0x1A100] =	vst v63  }
0x74: {  	s13 =	simm.s32 $0xD900  }
0x75: {  	[tilespmem:s13], [sflag:$0x4] =	stream.indirect_vreg.gather [hbm4b:s6+s3], $0x80, v4, vm0, $0xb8;
	[tilespmem:$0x1A100] =	vst v63  }
0x76: {  	s9 =	simm.s32 $0xE100  }
0x77: {  	[tilespmem:s9], [sflag:$0x4] =	stream.indirect_vreg.gather [hbm4b:s2+s3], $0x80, v3, vm0, $0xb8;
	[tilespmem:$0x1A100] =	vst v63  }
0x78: {  	s10 =	simm.s32 $0xE900  }
0x79: {  	[tilespmem:s10], [sflag:$0x4] =	stream.indirect_vreg.gather [hbm4b:s4+s3], $0x80, v3, vm0, $0xb8;
	[tilespmem:$0x1A100] =	vst v63  }
0x7a: {  	s12 =	simm.s32 $0xF100  }
0x7b: {  	[tilespmem:s12], [sflag:$0x4] =	stream.indirect_vreg.gather [hbm4b:s5+s3], $0x80, v3, vm0, $0xb8;
	[tilespmem:$0x1A100] =	vst v63  }
0x7c: {  	s13 =	simm.s32 $0xF900  }
0x7d: {  	[tilespmem:s13], [sflag:$0x4] =	stream.indirect_vreg.gather [hbm4b:s6+s3], $0x80, v3, vm0, $0xb8;
	[tilespmem:$0x1A100] =	vst v63  }
0x7e: {  	v3 =	vld [tilespmem:$0x40];
	_ =	sdelay $0x4  }
0x7f: {  	v52 =	vshll.u32 v3, $0x3  }
0x80: {  	v3 =	vand.u32 $0x7, v3;
	v4 =	vand.u32 $0xFFFFFFC0, v52  }
0x81: {  	v3 =	vor.u32 v3, v4  }
0x82: {  	v4 =	vperm.xlane v3, v0;
	_ =	sdelay $0x1  }
0x83: {  	v4 =	vadd.s32 v1, v4;
	_ =	sdelay $0x3  }
0x84: {  	s9 =	simm.s32 $0x10100  }
0x85: {  	[tilespmem:s9], [sflag:$0x5] =	stream.indirect_vreg.gather [hbm4b:s2+s3], $0x80, v4, vm0, $0xb8;
	[tilespmem:$0x1A100] =	vst v63  }
0x86: {  	v3 =	vperm.xlane v3, v2  }
0x87: {  	[tilespmem:s20], [sflag:$0x5] =	stream.indirect_vreg.gather [hbm4b:s4+s3], $0x80, v4, vm0, $0xb8;
	[tilespmem:$0x1A100] =	vst v63  }
0x88: {  	v3 =	vadd.s32 v1, v3  }
0x89: {  	[tilespmem:s29], [sflag:$0x5] =	stream.indirect_vreg.gather [hbm4b:s5+s3], $0x80, v4, vm0, $0xb8;
	[tilespmem:$0x1A100] =	vst v63  }
0x8a: {  	_ = 	snop  }
0x8b: {  	[tilespmem:s31], [sflag:$0x5] =	stream.indirect_vreg.gather [hbm4b:s6+s3], $0x80, v4, vm0, $0xb8;
	[tilespmem:$0x1A100] =	vst v63  }
0x8c: {  	s1 =	simm.s32 $0x12100  }
0x8d: {  	[tilespmem:s1], [sflag:$0x5] =	stream.indirect_vreg.gather [hbm4b:s2+s3], $0x80, v3, vm0, $0xb8;
	[tilespmem:$0x1A100] =	vst v63  }
0x8e: {  	s10 =	simm.s32 $0x12900  }
0x8f: {  	[tilespmem:s10], [sflag:$0x5] =	stream.indirect_vreg.gather [hbm4b:s4+s3], $0x80, v3, vm0, $0xb8;
	[tilespmem:$0x1A100] =	vst v63  }
0x90: {  	_ = 	snop  }
0x91: {  	[tilespmem:s11], [sflag:$0x5] =	stream.indirect_vreg.gather [hbm4b:s5+s3], $0x80, v3, vm0, $0xb8;
	[tilespmem:$0x1A100] =	vst v63  }
0x92: {  	s13 =	simm.s32 $0x13900  }
0x93: {  	[tilespmem:s13], [sflag:$0x5] =	stream.indirect_vreg.gather [hbm4b:s6+s3], $0x80, v3, vm0, $0xb8;
	[tilespmem:$0x1A100] =	vst v63  }
0x94: {  	_ =	swait.ge [sflag:s18], $0x4000  }
0x95: {  	[sflag:s18] =	ssyncset.done $0x0  }
0x96: {  	s12 =	rddreg [dreg:$0x7];
	[sflag:s18] =	ssyncadd.s32 $0xFFFFC000  }
0x97: {  	[hbm4b:s12+s3] =	stream.linear.scatter [tilespmem:s17], [sflag:$0x7], $0x4000, $0x38;
	[tilespmem:$0x1A100] =	vst v63  }
0x98: {  	v3 =	vld [tilespmem:$0x50];
	_ =	sdelay $0x4  }
0x99: {  	v53 =	vshll.u32 v3, $0x3  }
0x9a: {  	v3 =	vand.u32 $0x7, v3;
	v4 =	vand.u32 $0xFFFFFFC0, v53  }
0x9b: {  	v3 =	vor.u32 v3, v4  }
0x9c: {  	v4 =	vperm.xlane v3, v0;
	_ =	sdelay $0x1  }
0x9d: {  	v4 =	vadd.s32 v1, v4;
	_ =	sdelay $0x4  }
0x9e: {  	[tilespmem:s14], [sflag:$0x6] =	stream.indirect_vreg.gather [hbm4b:s2+s3], $0x80, v4, vm0, $0xb8;
	[tilespmem:$0x1A100] =	vst v63  }
0x9f: {  	s12 =	simm.s32 $0x14900;
	v3 =	vperm.xlane v3, v2  }
0xa0: {  	[tilespmem:s12], [sflag:$0x6] =	stream.indirect_vreg.gather [hbm4b:s4+s3], $0x80, v4, vm0, $0xb8;
	[tilespmem:$0x1A100] =	vst v63  }
0xa1: {  	v3 =	vadd.s32 v1, v3;
	s12 =	simm.s32 $0x15100  }
0xa2: {  	[tilespmem:s12], [sflag:$0x6] =	stream.indirect_vreg.gather [hbm4b:s5+s3], $0x80, v4, vm0, $0xb8;
	[tilespmem:$0x1A100] =	vst v63  }
0xa3: {  	s12 =	simm.s32 $0x15900  }
0xa4: {  	[tilespmem:s12], [sflag:$0x6] =	stream.indirect_vreg.gather [hbm4b:s6+s3], $0x80, v4, vm0, $0xb8;
	[tilespmem:$0x1A100] =	vst v63  }
0xa5: {  	s12 =	simm.s32 $0x16100  }
0xa6: {  	[tilespmem:s12], [sflag:$0x6] =	stream.indirect_vreg.gather [hbm4b:s2+s3], $0x80, v3, vm0, $0xb8;
	[tilespmem:$0x1A100] =	vst v63  }
0xa7: {  	s12 =	simm.s32 $0x16900  }
0xa8: {  	[tilespmem:s12], [sflag:$0x6] =	stream.indirect_vreg.gather [hbm4b:s4+s3], $0x80, v3, vm0, $0xb8;
	[tilespmem:$0x1A100] =	vst v63  }
0xa9: {  	s12 =	simm.s32 $0x17100  }
0xaa: {  	[tilespmem:s12], [sflag:$0x6] =	stream.indirect_vreg.gather [hbm4b:s5+s3], $0x80, v3, vm0, $0xb8;
	[tilespmem:$0x1A100] =	vst v63  }
0xab: {  	s12 =	simm.s32 $0x17900  }
0xac: {  	[tilespmem:s12], [sflag:$0x6] =	stream.indirect_vreg.gather [hbm4b:s6+s3], $0x80, v3, vm0, $0xb8;
	[tilespmem:$0x1A100] =	vst v63  }
0xad: {  	_ =	swait.ge [sflag:s21], $0x4000  }
0xae: {  	[sflag:s21] =	ssyncset.done $0x0  }
0xaf: {  	s12 =	rddreg [dreg:$0x8];
	[sflag:s21] =	ssyncadd.s32 $0xFFFFC000  }
0xb0: {  	[hbm4b:s12+s3] =	stream.linear.scatter [tilespmem:s25], [sflag:$0x8], $0x4000, $0x38;
	[tilespmem:$0x1A100] =	vst v63  }
0xb1: {  	_ =	swait.ge [sflag:s22], $0x4000  }
0xb2: {  	[sflag:s22] =	ssyncset.done $0x0  }
0xb3: {  	[sflag:s22] =	ssyncadd.s32 $0xFFFFC000  }
0xb4: {  	v3 =	vld [tilespmem:$0x60];
	_ =	sdelay $0x4  }
0xb5: {  	v54 =	vshll.u32 v3, $0x3  }
0xb6: {  	v3 =	vand.u32 $0x7, v3;
	v4 =	vand.u32 $0xFFFFFFC0, v54  }
0xb7: {  	v3 =	vor.u32 v3, v4  }
0xb8: {  	v4 =	vperm.xlane v3, v0;
	_ =	sdelay $0x1  }
0xb9: {  	v4 =	vadd.s32 v1, v4;
	_ =	sdelay $0x4  }
0xba: {  	[tilespmem:s17], [sflag:$0x1] =	stream.indirect_vreg.gather [hbm4b:s2+s3], $0x80, v4, vm0, $0xb8;
	[tilespmem:$0x1A100] =	vst v63  }
0xbb: {  	s15 =	simm.s32 $0x900;
	v3 =	vperm.xlane v3, v2  }
0xbc: {  	[tilespmem:s15], [sflag:$0x1] =	stream.indirect_vreg.gather [hbm4b:s4+s3], $0x80, v4, vm0, $0xb8;
	[tilespmem:$0x1A100] =	vst v63  }
0xbd: {  	v3 =	vadd.s32 v1, v3;
	s15 =	simm.s32 $0x1100  }
0xbe: {  	[tilespmem:s15], [sflag:$0x1] =	stream.indirect_vreg.gather [hbm4b:s5+s3], $0x80, v4, vm0, $0xb8;
	[tilespmem:$0x1A100] =	vst v63  }
0xbf: {  	s15 =	simm.s32 $0x1900  }
0xc0: {  	[tilespmem:s15], [sflag:$0x1] =	stream.indirect_vreg.gather [hbm4b:s6+s3], $0x80, v4, vm0, $0xb8;
	[tilespmem:$0x1A100] =	vst v63  }
0xc1: {  	s19 =	simm.s32 $0x2100  }
0xc2: {  	[tilespmem:s19], [sflag:$0x1] =	stream.indirect_vreg.gather [hbm4b:s2+s3], $0x80, v3, vm0, $0xb8;
	[tilespmem:$0x1A100] =	vst v63  }
0xc3: {  	s15 =	simm.s32 $0x2900  }
0xc4: {  	[tilespmem:s15], [sflag:$0x1] =	stream.indirect_vreg.gather [hbm4b:s4+s3], $0x80, v3, vm0, $0xb8;
	[tilespmem:$0x1A100] =	vst v63  }
0xc5: {  	s19 =	simm.s32 $0x3100  }
0xc6: {  	[tilespmem:s19], [sflag:$0x1] =	stream.indirect_vreg.gather [hbm4b:s5+s3], $0x80, v3, vm0, $0xb8;
	[tilespmem:$0x1A100] =	vst v63  }
0xc7: {  	s16 =	simm.s32 $0x3900  }
0xc8: {  	[tilespmem:s16], [sflag:$0x1] =	stream.indirect_vreg.gather [hbm4b:s6+s3], $0x80, v3, vm0, $0xb8;
	[tilespmem:$0x1A100] =	vst v63  }
0xc9: {  	_ =	swait.ge [sflag:s23], $0x4000  }
0xca: {  	[sflag:s23] =	ssyncset.done $0x0  }
0xcb: {  	s15 =	rddreg [dreg:$0x9];
	[sflag:s23] =	ssyncadd.s32 $0xFFFFC000  }
0xcc: {  	[hbm4b:s15+s3] =	stream.linear.scatter [tilespmem:s0], [sflag:$0x9], $0x4000, $0x38;
	[tilespmem:$0x1A100] =	vst v63  }
0xcd: {  	_ =	swait.ge [sflag:s24], $0x4000  }
0xce: {  	[sflag:s24] =	ssyncset.done $0x0  }
0xcf: {  	[sflag:s24] =	ssyncadd.s32 $0xFFFFC000  }
0xd0: {  	v3 =	vld [tilespmem:$0x70];
	_ =	sdelay $0x4  }
0xd1: {  	v55 =	vshll.u32 v3, $0x3  }
0xd2: {  	v3 =	vand.u32 $0x7, v3;
	v4 =	vand.u32 $0xFFFFFFC0, v55  }
0xd3: {  	v3 =	vor.u32 v3, v4  }
0xd4: {  	v4 =	vperm.xlane v3, v0;
	_ =	sdelay $0x1  }
0xd5: {  	v4 =	vadd.s32 v1, v4;
	_ =	sdelay $0x4  }
0xd6: {  	[tilespmem:s25], [sflag:$0x2] =	stream.indirect_vreg.gather [hbm4b:s2+s3], $0x80, v4, vm0, $0xb8;
	[tilespmem:$0x1A100] =	vst v63  }
0xd7: {  	s16 =	simm.s32 $0x4900;
	v3 =	vperm.xlane v3, v2  }
0xd8: {  	[tilespmem:s16], [sflag:$0x2] =	stream.indirect_vreg.gather [hbm4b:s4+s3], $0x80, v4, vm0, $0xb8;
	[tilespmem:$0x1A100] =	vst v63  }
0xd9: {  	s19 =	simm.s32 $0x5100;
	v3 =	vadd.s32 v1, v3  }
0xda: {  	[tilespmem:s19], [sflag:$0x2] =	stream.indirect_vreg.gather [hbm4b:s5+s3], $0x80, v4, vm0, $0xb8;
	[tilespmem:$0x1A100] =	vst v63  }
0xdb: {  	s15 =	simm.s32 $0x5900  }
0xdc: {  	[tilespmem:s15], [sflag:$0x2] =	stream.indirect_vreg.gather [hbm4b:s6+s3], $0x80, v4, vm0, $0xb8;
	[tilespmem:$0x1A100] =	vst v63  }
0xdd: {  	s16 =	simm.s32 $0x6100  }
0xde: {  	[tilespmem:s16], [sflag:$0x2] =	stream.indirect_vreg.gather [hbm4b:s2+s3], $0x80, v3, vm0, $0xb8;
	[tilespmem:$0x1A100] =	vst v63  }
0xdf: {  	s19 =	simm.s32 $0x6900  }
0xe0: {  	[tilespmem:s19], [sflag:$0x2] =	stream.indirect_vreg.gather [hbm4b:s4+s3], $0x80, v3, vm0, $0xb8;
	[tilespmem:$0x1A100] =	vst v63  }
0xe1: {  	s15 =	simm.s32 $0x7100  }
0xe2: {  	[tilespmem:s15], [sflag:$0x2] =	stream.indirect_vreg.gather [hbm4b:s5+s3], $0x80, v3, vm0, $0xb8;
	[tilespmem:$0x1A100] =	vst v63  }
0xe3: {  	s16 =	simm.s32 $0x7900  }
0xe4: {  	[tilespmem:s16], [sflag:$0x2] =	stream.indirect_vreg.gather [hbm4b:s6+s3], $0x80, v3, vm0, $0xb8;
	[tilespmem:$0x1A100] =	vst v63  }
0xe5: {  	_ =	swait.ge [sflag:s26], $0x4000  }
0xe6: {  	[sflag:s26] =	ssyncset.done $0x0  }
0xe7: {  	s19 =	rddreg [dreg:$0xa];
	[sflag:s26] =	ssyncadd.s32 $0xFFFFC000  }
0xe8: {  	[hbm4b:s19+s3] =	stream.linear.scatter [tilespmem:s8], [sflag:$0xA], $0x4000, $0x38;
	[tilespmem:$0x1A100] =	vst v63  }
0xe9: {  	_ =	swait.ge [sflag:s28], $0x4000  }
0xea: {  	[sflag:s28] =	ssyncset.done $0x0  }
0xeb: {  	[sflag:s28] =	ssyncadd.s32 $0xFFFFC000  }
0xec: {  	v3 =	vld [tilespmem:$0x80];
	_ =	sdelay $0x4  }
0xed: {  	v56 =	vshll.u32 v3, $0x3  }
0xee: {  	v3 =	vand.u32 $0x7, v3;
	v4 =	vand.u32 $0xFFFFFFC0, v56  }
0xef: {  	v3 =	vor.u32 v3, v4  }
0xf0: {  	v4 =	vperm.xlane v3, v0;
	_ =	sdelay $0x1  }
0xf1: {  	v4 =	vadd.s32 v1, v4;
	_ =	sdelay $0x4  }
0xf2: {  	[tilespmem:s0], [sflag:$0x3] =	stream.indirect_vreg.gather [hbm4b:s2+s3], $0x80, v4, vm0, $0xb8;
	[tilespmem:$0x1A100] =	vst v63  }
0xf3: {  	s15 =	simm.s32 $0x8900;
	v3 =	vperm.xlane v3, v2  }
0xf4: {  	[tilespmem:s15], [sflag:$0x3] =	stream.indirect_vreg.gather [hbm4b:s4+s3], $0x80, v4, vm0, $0xb8;
	[tilespmem:$0x1A100] =	vst v63  }
0xf5: {  	s16 =	simm.s32 $0x9100;
	v3 =	vadd.s32 v1, v3  }
0xf6: {  	[tilespmem:s16], [sflag:$0x3] =	stream.indirect_vreg.gather [hbm4b:s5+s3], $0x80, v4, vm0, $0xb8;
	[tilespmem:$0x1A100] =	vst v63  }
0xf7: {  	s19 =	simm.s32 $0x9900  }
0xf8: {  	[tilespmem:s19], [sflag:$0x3] =	stream.indirect_vreg.gather [hbm4b:s6+s3], $0x80, v4, vm0, $0xb8;
	[tilespmem:$0x1A100] =	vst v63  }
0xf9: {  	s15 =	simm.s32 $0xA100  }
0xfa: {  	[tilespmem:s15], [sflag:$0x3] =	stream.indirect_vreg.gather [hbm4b:s2+s3], $0x80, v3, vm0, $0xb8;
	[tilespmem:$0x1A100] =	vst v63  }
0xfb: {  	s16 =	simm.s32 $0xA900  }
0xfc: {  	[tilespmem:s16], [sflag:$0x3] =	stream.indirect_vreg.gather [hbm4b:s4+s3], $0x80, v3, vm0, $0xb8;
	[tilespmem:$0x1A100] =	vst v63  }
0xfd: {  	s19 =	simm.s32 $0xB100  }
0xfe: {  	[tilespmem:s19], [sflag:$0x3] =	stream.indirect_vreg.gather [hbm4b:s5+s3], $0x80, v3, vm0, $0xb8;
	[tilespmem:$0x1A100] =	vst v63  }
0xff: {  	s15 =	simm.s32 $0xB900;
	s19 =	simm.s32 $0x5  }
0x100: {  	[tilespmem:s15], [sflag:$0x3] =	stream.indirect_vreg.gather [hbm4b:s6+s3], $0x80, v3, vm0, $0xb8;
	[tilespmem:$0x1A100] =	vst v63  }
0x101: {  	_ =	swait.ge [sflag:s19], $0x4000  }
0x102: {  	[sflag:s19] =	ssyncset.done $0x0  }
0x103: {  	s16 =	rddreg [dreg:$0xb];
	[sflag:s19] =	ssyncadd.s32 $0xFFFFC000  }
0x104: {  	[hbm4b:s16+s3] =	stream.linear.scatter [tilespmem:s9], [sflag:$0xB], $0x4000, $0x38;
	[tilespmem:$0x1A100] =	vst v63  }
0x105: {  	_ =	swait.ge [sflag:s30], $0x4000  }
0x106: {  	[sflag:s30] =	ssyncset.done $0x0  }
0x107: {  	[sflag:s30] =	ssyncadd.s32 $0xFFFFC000  }
0x108: {  	v3 =	vld [tilespmem:$0x90];
	_ =	sdelay $0x4  }
0x109: {  	v57 =	vshll.u32 v3, $0x3  }
0x10a: {  	v3 =	vand.u32 $0x7, v3;
	v4 =	vand.u32 $0xFFFFFFC0, v57  }
0x10b: {  	v3 =	vor.u32 v3, v4  }
0x10c: {  	v4 =	vperm.xlane v3, v0;
	_ =	sdelay $0x1  }
0x10d: {  	v4 =	vadd.s32 v1, v4;
	_ =	sdelay $0x4  }
0x10e: {  	[tilespmem:s8], [sflag:$0x4] =	stream.indirect_vreg.gather [hbm4b:s2+s3], $0x80, v4, vm0, $0xb8;
	[tilespmem:$0x1A100] =	vst v63  }
0x10f: {  	s15 =	simm.s32 $0xC900;
	v3 =	vperm.xlane v3, v2  }
0x110: {  	[tilespmem:s15], [sflag:$0x4] =	stream.indirect_vreg.gather [hbm4b:s4+s3], $0x80, v4, vm0, $0xb8;
	[tilespmem:$0x1A100] =	vst v63  }
0x111: {  	s16 =	simm.s32 $0xD100;
	v3 =	vadd.s32 v1, v3  }
0x112: {  	[tilespmem:s16], [sflag:$0x4] =	stream.indirect_vreg.gather [hbm4b:s5+s3], $0x80, v4, vm0, $0xb8;
	[tilespmem:$0x1A100] =	vst v63  }
0x113: {  	s15 =	simm.s32 $0xD900  }
0x114: {  	[tilespmem:s15], [sflag:$0x4] =	stream.indirect_vreg.gather [hbm4b:s6+s3], $0x80, v4, vm0, $0xb8;
	[tilespmem:$0x1A100] =	vst v63  }
0x115: {  	s16 =	simm.s32 $0xE100  }
0x116: {  	[tilespmem:s16], [sflag:$0x4] =	stream.indirect_vreg.gather [hbm4b:s2+s3], $0x80, v3, vm0, $0xb8;
	[tilespmem:$0x1A100] =	vst v63  }
0x117: {  	s15 =	simm.s32 $0xE900  }
0x118: {  	[tilespmem:s15], [sflag:$0x4] =	stream.indirect_vreg.gather [hbm4b:s4+s3], $0x80, v3, vm0, $0xb8;
	[tilespmem:$0x1A100] =	vst v63  }
0x119: {  	s16 =	simm.s32 $0xF100  }
0x11a: {  	[tilespmem:s16], [sflag:$0x4] =	stream.indirect_vreg.gather [hbm4b:s5+s3], $0x80, v3, vm0, $0xb8;
	[tilespmem:$0x1A100] =	vst v63  }
0x11b: {  	s15 =	simm.s32 $0xF900  }
0x11c: {  	[tilespmem:s15], [sflag:$0x4] =	stream.indirect_vreg.gather [hbm4b:s6+s3], $0x80, v3, vm0, $0xb8;
	[tilespmem:$0x1A100] =	vst v63  }
0x11d: {  	s15 =	simm.s32 $0x6  }
0x11e: {  	_ =	swait.ge [sflag:s15], $0x4000  }
0x11f: {  	[sflag:s15] =	ssyncset.done $0x0  }
0x120: {  	s16 =	rddreg [dreg:$0xc];
	[sflag:s15] =	ssyncadd.s32 $0xFFFFC000  }
0x121: {  	[hbm4b:s16+s3] =	stream.linear.scatter [tilespmem:s14], [sflag:$0xC], $0x4000, $0x38;
	[tilespmem:$0x1A100] =	vst v63  }
0x122: {  	s16 =	simm.s32 $0xB  }
0x123: {  	_ =	swait.ge [sflag:s16], $0x4000  }
0x124: {  	[sflag:s16] =	ssyncset.done $0x0  }
0x125: {  	[sflag:s16] =	ssyncadd.s32 $0xFFFFC000  }
0x126: {  	v3 =	vld [tilespmem:$0xA0];
	_ =	sdelay $0x4  }
0x127: {  	v58 =	vshll.u32 v3, $0x3  }
0x128: {  	v3 =	vand.u32 $0x7, v3;
	v4 =	vand.u32 $0xFFFFFFC0, v58  }
0x129: {  	v3 =	vor.u32 v3, v4  }
0x12a: {  	v4 =	vperm.xlane v3, v0;
	_ =	sdelay $0x1  }
0x12b: {  	v4 =	vadd.s32 v1, v4;
	_ =	sdelay $0x4  }
0x12c: {  	[tilespmem:s9], [sflag:$0x5] =	stream.indirect_vreg.gather [hbm4b:s2+s3], $0x80, v4, vm0, $0xb8;
	[tilespmem:$0x1A100] =	vst v63  }
0x12d: {  	v3 =	vperm.xlane v3, v2  }
0x12e: {  	[tilespmem:s20], [sflag:$0x5] =	stream.indirect_vreg.gather [hbm4b:s4+s3], $0x80, v4, vm0, $0xb8;
	[tilespmem:$0x1A100] =	vst v63  }
0x12f: {  	v3 =	vadd.s32 v1, v3  }
0x130: {  	[tilespmem:s29], [sflag:$0x5] =	stream.indirect_vreg.gather [hbm4b:s5+s3], $0x80, v4, vm0, $0xb8;
	[tilespmem:$0x1A100] =	vst v63  }
0x131: {  	_ = 	snop  }
0x132: {  	[tilespmem:s31], [sflag:$0x5] =	stream.indirect_vreg.gather [hbm4b:s6+s3], $0x80, v4, vm0, $0xb8;
	[tilespmem:$0x1A100] =	vst v63  }
0x133: {  	_ = 	snop  }
0x134: {  	[tilespmem:s1], [sflag:$0x5] =	stream.indirect_vreg.gather [hbm4b:s2+s3], $0x80, v3, vm0, $0xb8;
	[tilespmem:$0x1A100] =	vst v63  }
0x135: {  	_ = 	snop  }
0x136: {  	[tilespmem:s10], [sflag:$0x5] =	stream.indirect_vreg.gather [hbm4b:s4+s3], $0x80, v3, vm0, $0xb8;
	[tilespmem:$0x1A100] =	vst v63  }
0x137: {  	_ = 	snop  }
0x138: {  	[tilespmem:s11], [sflag:$0x5] =	stream.indirect_vreg.gather [hbm4b:s5+s3], $0x80, v3, vm0, $0xb8;
	[tilespmem:$0x1A100] =	vst v63  }
0x139: {  	_ = 	snop  }
0x13a: {  	[tilespmem:s13], [sflag:$0x5] =	stream.indirect_vreg.gather [hbm4b:s6+s3], $0x80, v3, vm0, $0xb8;
	[tilespmem:$0x1A100] =	vst v63  }
0x13b: {  	_ =	swait.ge [sflag:s18], $0x4000  }
0x13c: {  	[sflag:s18] =	ssyncset.done $0x0  }
0x13d: {  	s1 =	simm.s32 $0xC;
	s10 =	rddreg [dreg:$0xd];
	[sflag:s18] =	ssyncadd.s32 $0xFFFFC000  }
0x13e: {  	[hbm4b:s10+s3] =	stream.linear.scatter [tilespmem:s17], [sflag:$0x7], $0x4000, $0x38;
	[tilespmem:$0x1A100] =	vst v63  }
0x13f: {  	_ =	swait.ge [sflag:s1], $0x4000  }
0x140: {  	[sflag:s1] =	ssyncset.done $0x0  }
0x141: {  	[sflag:s1] =	ssyncadd.s32 $0xFFFFC000  }
0x142: {  	v3 =	vld [tilespmem:$0xB0];
	_ =	sdelay $0x4  }
0x143: {  	v59 =	vshll.u32 v3, $0x3  }
0x144: {  	v3 =	vand.u32 $0x7, v3;
	v4 =	vand.u32 $0xFFFFFFC0, v59  }
0x145: {  	v3 =	vor.u32 v3, v4  }
0x146: {  	v4 =	vperm.xlane v3, v0;
	_ =	sdelay $0x1  }
0x147: {  	v4 =	vadd.s32 v1, v4;
	_ =	sdelay $0x4  }
0x148: {  	[tilespmem:s14], [sflag:$0x6] =	stream.indirect_vreg.gather [hbm4b:s2+s3], $0x80, v4, vm0, $0xb8;
	[tilespmem:$0x1A100] =	vst v63  }
0x149: {  	s13 =	simm.s32 $0x14900;
	v3 =	vperm.xlane v3, v2  }
0x14a: {  	[tilespmem:s13], [sflag:$0x6] =	stream.indirect_vreg.gather [hbm4b:s4+s3], $0x80, v4, vm0, $0xb8;
	[tilespmem:$0x1A100] =	vst v63  }
0x14b: {  	s12 =	simm.s32 $0x15100;
	v3 =	vadd.s32 v1, v3  }
0x14c: {  	[tilespmem:s12], [sflag:$0x6] =	stream.indirect_vreg.gather [hbm4b:s5+s3], $0x80, v4, vm0, $0xb8;
	[tilespmem:$0x1A100] =	vst v63  }
0x14d: {  	s13 =	simm.s32 $0x15900  }
0x14e: {  	[tilespmem:s13], [sflag:$0x6] =	stream.indirect_vreg.gather [hbm4b:s6+s3], $0x80, v4, vm0, $0xb8;
	[tilespmem:$0x1A100] =	vst v63  }
0x14f: {  	s12 =	simm.s32 $0x16100  }
0x150: {  	[tilespmem:s12], [sflag:$0x6] =	stream.indirect_vreg.gather [hbm4b:s2+s3], $0x80, v3, vm0, $0xb8;
	[tilespmem:$0x1A100] =	vst v63  }
0x151: {  	s13 =	simm.s32 $0x16900  }
0x152: {  	[tilespmem:s13], [sflag:$0x6] =	stream.indirect_vreg.gather [hbm4b:s4+s3], $0x80, v3, vm0, $0xb8;
	[tilespmem:$0x1A100] =	vst v63  }
0x153: {  	s12 =	simm.s32 $0x17100  }
0x154: {  	[tilespmem:s12], [sflag:$0x6] =	stream.indirect_vreg.gather [hbm4b:s5+s3], $0x80, v3, vm0, $0xb8;
	[tilespmem:$0x1A100] =	vst v63  }
0x155: {  	s13 =	simm.s32 $0x17900  }
0x156: {  	[tilespmem:s13], [sflag:$0x6] =	stream.indirect_vreg.gather [hbm4b:s6+s3], $0x80, v3, vm0, $0xb8;
	[tilespmem:$0x1A100] =	vst v63  }
0x157: {  	_ =	swait.ge [sflag:s21], $0x4000  }
0x158: {  	[sflag:s21] =	ssyncset.done $0x0  }
0x159: {  	s10 =	rddreg [dreg:$0xe];
	[sflag:s21] =	ssyncadd.s32 $0xFFFFC000  }
0x15a: {  	[hbm4b:s10+s3] =	stream.linear.scatter [tilespmem:s25], [sflag:$0x8], $0x4000, $0x38;
	[tilespmem:$0x1A100] =	vst v63  }
0x15b: {  	_ =	swait.ge [sflag:s22], $0x4000  }
0x15c: {  	[sflag:s22] =	ssyncset.done $0x0  }
0x15d: {  	[sflag:s22] =	ssyncadd.s32 $0xFFFFC000  }
0x15e: {  	v3 =	vld [tilespmem:$0xC0];
	_ =	sdelay $0x4  }
0x15f: {  	v60 =	vshll.u32 v3, $0x3  }
0x160: {  	v3 =	vand.u32 $0x7, v3;
	v4 =	vand.u32 $0xFFFFFFC0, v60  }
0x161: {  	v3 =	vor.u32 v3, v4  }
0x162: {  	v4 =	vperm.xlane v3, v0;
	_ =	sdelay $0x1  }
0x163: {  	v4 =	vadd.s32 v1, v4;
	_ =	sdelay $0x4  }
0x164: {  	[tilespmem:s17], [sflag:$0x1] =	stream.indirect_vreg.gather [hbm4b:s2+s3], $0x80, v4, vm0, $0xb8;
	[tilespmem:$0x1A100] =	vst v63  }
0x165: {  	s13 =	simm.s32 $0x900;
	v3 =	vperm.xlane v3, v2  }
0x166: {  	[tilespmem:s13], [sflag:$0x1] =	stream.indirect_vreg.gather [hbm4b:s4+s3], $0x80, v4, vm0, $0xb8;
	[tilespmem:$0x1A100] =	vst v63  }
0x167: {  	s12 =	simm.s32 $0x1100;
	v3 =	vadd.s32 v1, v3  }
0x168: {  	[tilespmem:s12], [sflag:$0x1] =	stream.indirect_vreg.gather [hbm4b:s5+s3], $0x80, v4, vm0, $0xb8;
	[tilespmem:$0x1A100] =	vst v63  }
0x169: {  	s13 =	simm.s32 $0x1900  }
0x16a: {  	[tilespmem:s13], [sflag:$0x1] =	stream.indirect_vreg.gather [hbm4b:s6+s3], $0x80, v4, vm0, $0xb8;
	[tilespmem:$0x1A100] =	vst v63  }
0x16b: {  	s12 =	simm.s32 $0x2100  }
0x16c: {  	[tilespmem:s12], [sflag:$0x1] =	stream.indirect_vreg.gather [hbm4b:s2+s3], $0x80, v3, vm0, $0xb8;
	[tilespmem:$0x1A100] =	vst v63  }
0x16d: {  	s13 =	simm.s32 $0x2900  }
0x16e: {  	[tilespmem:s13], [sflag:$0x1] =	stream.indirect_vreg.gather [hbm4b:s4+s3], $0x80, v3, vm0, $0xb8;
	[tilespmem:$0x1A100] =	vst v63  }
0x16f: {  	s12 =	simm.s32 $0x3100  }
0x170: {  	[tilespmem:s12], [sflag:$0x1] =	stream.indirect_vreg.gather [hbm4b:s5+s3], $0x80, v3, vm0, $0xb8;
	[tilespmem:$0x1A100] =	vst v63  }
0x171: {  	s13 =	simm.s32 $0x3900  }
0x172: {  	[tilespmem:s13], [sflag:$0x1] =	stream.indirect_vreg.gather [hbm4b:s6+s3], $0x80, v3, vm0, $0xb8;
	[tilespmem:$0x1A100] =	vst v63  }
0x173: {  	_ =	swait.ge [sflag:s23], $0x4000  }
0x174: {  	[sflag:s23] =	ssyncset.done $0x0  }
0x175: {  	s10 =	rddreg [dreg:$0xf];
	[sflag:s23] =	ssyncadd.s32 $0xFFFFC000  }
0x176: {  	[hbm4b:s10+s3] =	stream.linear.scatter [tilespmem:s0], [sflag:$0x9], $0x4000, $0x38;
	[tilespmem:$0x1A100] =	vst v63  }
0x177: {  	_ =	swait.ge [sflag:s24], $0x4000  }
0x178: {  	[sflag:s24] =	ssyncset.done $0x0  }
0x179: {  	[sflag:s24] =	ssyncadd.s32 $0xFFFFC000  }
0x17a: {  	v3 =	vld [tilespmem:$0xD0];
	_ =	sdelay $0x4  }
0x17b: {  	v61 =	vshll.u32 v3, $0x3  }
0x17c: {  	v3 =	vand.u32 $0x7, v3;
	v4 =	vand.u32 $0xFFFFFFC0, v61  }
0x17d: {  	v3 =	vor.u32 v3, v4  }
0x17e: {  	v4 =	vperm.xlane v3, v0;
	_ =	sdelay $0x1  }
0x17f: {  	v4 =	vadd.s32 v1, v4;
	_ =	sdelay $0x4  }
0x180: {  	[tilespmem:s25], [sflag:$0x2] =	stream.indirect_vreg.gather [hbm4b:s2+s3], $0x80, v4, vm0, $0xb8;
	[tilespmem:$0x1A100] =	vst v63  }
0x181: {  	s13 =	simm.s32 $0x4900;
	v3 =	vperm.xlane v3, v2  }
0x182: {  	[tilespmem:s13], [sflag:$0x2] =	stream.indirect_vreg.gather [hbm4b:s4+s3], $0x80, v4, vm0, $0xb8;
	[tilespmem:$0x1A100] =	vst v63  }
0x183: {  	s12 =	simm.s32 $0x5100;
	v3 =	vadd.s32 v1, v3  }
0x184: {  	[tilespmem:s12], [sflag:$0x2] =	stream.indirect_vreg.gather [hbm4b:s5+s3], $0x80, v4, vm0, $0xb8;
	[tilespmem:$0x1A100] =	vst v63  }
0x185: {  	s13 =	simm.s32 $0x5900  }
0x186: {  	[tilespmem:s13], [sflag:$0x2] =	stream.indirect_vreg.gather [hbm4b:s6+s3], $0x80, v4, vm0, $0xb8;
	[tilespmem:$0x1A100] =	vst v63  }
0x187: {  	s12 =	simm.s32 $0x6100  }
0x188: {  	[tilespmem:s12], [sflag:$0x2] =	stream.indirect_vreg.gather [hbm4b:s2+s3], $0x80, v3, vm0, $0xb8;
	[tilespmem:$0x1A100] =	vst v63  }
0x189: {  	s13 =	simm.s32 $0x6900  }
0x18a: {  	[tilespmem:s13], [sflag:$0x2] =	stream.indirect_vreg.gather [hbm4b:s4+s3], $0x80, v3, vm0, $0xb8;
	[tilespmem:$0x1A100] =	vst v63  }
0x18b: {  	s12 =	simm.s32 $0x7100  }
0x18c: {  	[tilespmem:s12], [sflag:$0x2] =	stream.indirect_vreg.gather [hbm4b:s5+s3], $0x80, v3, vm0, $0xb8;
	[tilespmem:$0x1A100] =	vst v63  }
0x18d: {  	s13 =	simm.s32 $0x7900  }
0x18e: {  	[tilespmem:s13], [sflag:$0x2] =	stream.indirect_vreg.gather [hbm4b:s6+s3], $0x80, v3, vm0, $0xb8;
	[tilespmem:$0x1A100] =	vst v63  }
0x18f: {  	_ =	swait.ge [sflag:s26], $0x4000  }
0x190: {  	[sflag:s26] =	ssyncset.done $0x0  }
0x191: {  	s10 =	rddreg [dreg:$0x10];
	[sflag:s26] =	ssyncadd.s32 $0xFFFFC000  }
0x192: {  	[hbm4b:s10+s3] =	stream.linear.scatter [tilespmem:s8], [sflag:$0xA], $0x4000, $0x38;
	[tilespmem:$0x1A100] =	vst v63  }
0x193: {  	_ =	swait.ge [sflag:s28], $0x4000  }
0x194: {  	[sflag:s28] =	ssyncset.done $0x0  }
0x195: {  	[sflag:s28] =	ssyncadd.s32 $0xFFFFC000  }
0x196: {  	v3 =	vld [tilespmem:$0xE0];
	_ =	sdelay $0x4  }
0x197: {  	v62 =	vshll.u32 v3, $0x3  }
0x198: {  	v3 =	vand.u32 $0x7, v3;
	v4 =	vand.u32 $0xFFFFFFC0, v62  }
0x199: {  	v3 =	vor.u32 v3, v4  }
0x19a: {  	v4 =	vperm.xlane v3, v0;
	_ =	sdelay $0x1  }
0x19b: {  	v4 =	vadd.s32 v1, v4;
	_ =	sdelay $0x4  }
0x19c: {  	[tilespmem:s0], [sflag:$0x3] =	stream.indirect_vreg.gather [hbm4b:s2+s3], $0x80, v4, vm0, $0xb8;
	[tilespmem:$0x1A100] =	vst v63  }
0x19d: {  	s13 =	simm.s32 $0x8900;
	v3 =	vperm.xlane v3, v2  }
0x19e: {  	[tilespmem:s13], [sflag:$0x3] =	stream.indirect_vreg.gather [hbm4b:s4+s3], $0x80, v4, vm0, $0xb8;
	[tilespmem:$0x1A100] =	vst v63  }
0x19f: {  	s12 =	simm.s32 $0x9100;
	v3 =	vadd.s32 v1, v3  }
0x1a0: {  	[tilespmem:s12], [sflag:$0x3] =	stream.indirect_vreg.gather [hbm4b:s5+s3], $0x80, v4, vm0, $0xb8;
	[tilespmem:$0x1A100] =	vst v63  }
0x1a1: {  	s13 =	simm.s32 $0x9900  }
0x1a2: {  	[tilespmem:s13], [sflag:$0x3] =	stream.indirect_vreg.gather [hbm4b:s6+s3], $0x80, v4, vm0, $0xb8;
	[tilespmem:$0x1A100] =	vst v63  }
0x1a3: {  	s12 =	simm.s32 $0xA100  }
0x1a4: {  	[tilespmem:s12], [sflag:$0x3] =	stream.indirect_vreg.gather [hbm4b:s2+s3], $0x80, v3, vm0, $0xb8;
	[tilespmem:$0x1A100] =	vst v63  }
0x1a5: {  	s13 =	simm.s32 $0xA900  }
0x1a6: {  	[tilespmem:s13], [sflag:$0x3] =	stream.indirect_vreg.gather [hbm4b:s4+s3], $0x80, v3, vm0, $0xb8;
	[tilespmem:$0x1A100] =	vst v63  }
0x1a7: {  	s12 =	simm.s32 $0xB100  }
0x1a8: {  	[tilespmem:s12], [sflag:$0x3] =	stream.indirect_vreg.gather [hbm4b:s5+s3], $0x80, v3, vm0, $0xb8;
	[tilespmem:$0x1A100] =	vst v63  }
0x1a9: {  	s13 =	simm.s32 $0xB900  }
0x1aa: {  	[tilespmem:s13], [sflag:$0x3] =	stream.indirect_vreg.gather [hbm4b:s6+s3], $0x80, v3, vm0, $0xb8;
	[tilespmem:$0x1A100] =	vst v63  }
0x1ab: {  	_ =	swait.ge [sflag:s19], $0x4000  }
0x1ac: {  	[sflag:s19] =	ssyncset.done $0x0  }
0x1ad: {  	s10 =	rddreg [dreg:$0x11];
	[sflag:s19] =	ssyncadd.s32 $0xFFFFC000  }
0x1ae: {  	[hbm4b:s10+s3] =	stream.linear.scatter [tilespmem:s9], [sflag:$0xB], $0x4000, $0x38;
	[tilespmem:$0x1A100] =	vst v63  }
0x1af: {  	_ =	swait.ge [sflag:s30], $0x4000  }
0x1b0: {  	[sflag:s30] =	ssyncset.done $0x0  }
0x1b1: {  	[sflag:s30] =	ssyncadd.s32 $0xFFFFC000  }
0x1b2: {  	v3 =	vld [tilespmem:$0xF0];
	_ =	sdelay $0x4  }
0x1b3: {  	v63 =	vshll.u32 v3, $0x3  }
0x1b4: {  	v3 =	vand.u32 $0x7, v3;
	v4 =	vand.u32 $0xFFFFFFC0, v63  }
0x1b5: {  	v3 =	vor.u32 v3, v4  }
0x1b6: {  	v4 =	vperm.xlane v3, v0;
	_ =	sdelay $0x1  }
0x1b7: {  	v4 =	vadd.s32 v1, v4;
	_ =	sdelay $0x4  }
0x1b8: {  	[tilespmem:s8], [sflag:$0x4] =	stream.indirect_vreg.gather [hbm4b:s2+s3], $0x80, v4, vm0, $0xb8;
	[tilespmem:$0x1A100] =	vst v63  }
0x1b9: {  	s12 =	simm.s32 $0xC900;
	v3 =	vperm.xlane v3, v2  }
0x1ba: {  	[tilespmem:s12], [sflag:$0x4] =	stream.indirect_vreg.gather [hbm4b:s4+s3], $0x80, v4, vm0, $0xb8;
	[tilespmem:$0x1A100] =	vst v63  }
0x1bb: {  	s13 =	simm.s32 $0xD100;
	v3 =	vadd.s32 v1, v3  }
0x1bc: {  	[tilespmem:s13], [sflag:$0x4] =	stream.indirect_vreg.gather [hbm4b:s5+s3], $0x80, v4, vm0, $0xb8;
	[tilespmem:$0x1A100] =	vst v63  }
0x1bd: {  	s19 =	simm.s32 $0xD900  }
0x1be: {  	[tilespmem:s19], [sflag:$0x4] =	stream.indirect_vreg.gather [hbm4b:s6+s3], $0x80, v4, vm0, $0xb8;
	[tilespmem:$0x1A100] =	vst v63  }
0x1bf: {  	s10 =	simm.s32 $0xE100  }
0x1c0: {  	[tilespmem:s10], [sflag:$0x4] =	stream.indirect_vreg.gather [hbm4b:s2+s3], $0x80, v3, vm0, $0xb8;
	[tilespmem:$0x1A100] =	vst v63  }
0x1c1: {  	s12 =	simm.s32 $0xE900  }
0x1c2: {  	[tilespmem:s12], [sflag:$0x4] =	stream.indirect_vreg.gather [hbm4b:s4+s3], $0x80, v3, vm0, $0xb8;
	[tilespmem:$0x1A100] =	vst v63  }
0x1c3: {  	s13 =	simm.s32 $0xF100  }
0x1c4: {  	[tilespmem:s13], [sflag:$0x4] =	stream.indirect_vreg.gather [hbm4b:s5+s3], $0x80, v3, vm0, $0xb8;
	[tilespmem:$0x1A100] =	vst v63  }
0x1c5: {  	s19 =	simm.s32 $0xF900  }
0x1c6: {  	[tilespmem:s19], [sflag:$0x4] =	stream.indirect_vreg.gather [hbm4b:s6+s3], $0x80, v3, vm0, $0xb8;
	[tilespmem:$0x1A100] =	vst v63  }
0x1c7: {  	_ =	swait.ge [sflag:s15], $0x4000  }
0x1c8: {  	[sflag:s15] =	ssyncset.done $0x0  }
0x1c9: {  	s9 =	rddreg [dreg:$0x12];
	[sflag:s15] =	ssyncadd.s32 $0xFFFFC000  }
0x1ca: {  	[hbm4b:s9+s3] =	stream.linear.scatter [tilespmem:s14], [sflag:$0xC], $0x4000, $0x38;
	[tilespmem:$0x1A100] =	vst v63  }
0x1cb: {  	_ =	swait.ge [sflag:s18], $0x4000  }
0x1cc: {  	[sflag:s18] =	ssyncset.done $0x0  }
0x1cd: {  	s10 =	rddreg [dreg:$0x13];
	[sflag:s18] =	ssyncadd.s32 $0xFFFFC000  }
0x1ce: {  	[hbm4b:s10+s3] =	stream.linear.scatter [tilespmem:s17], [sflag:$0x7], $0x4000, $0x38;
	[tilespmem:$0x1A100] =	vst v63  }
0x1cf: {  	_ =	swait.ge [sflag:s21], $0x4000  }
0x1d0: {  	[sflag:s21] =	ssyncset.done $0x0  }
0x1d1: {  	s13 =	rddreg [dreg:$0x14];
	[sflag:s21] =	ssyncadd.s32 $0xFFFFC000  }
0x1d2: {  	[hbm4b:s13+s3] =	stream.linear.scatter [tilespmem:s25], [sflag:$0x8], $0x4000, $0x38;
	[tilespmem:$0x1A100] =	vst v63  }
0x1d3: {  	_ =	swait.ge [sflag:s23], $0x4000  }
0x1d4: {  	[sflag:s23] =	ssyncset.done $0x0  }
0x1d5: {  	s15 =	rddreg [dreg:$0x15];
	[sflag:s23] =	ssyncadd.s32 $0xFFFFC000  }
0x1d6: {  	[hbm4b:s15+s3] =	stream.linear.scatter [tilespmem:s0], [sflag:$0x9], $0x4000, $0x38;
	[tilespmem:$0x1A100] =	vst v63  }
0x1d7: {  	_ =	swait.ge [sflag:s26], $0x4000  }
0x1d8: {  	[sflag:s26] =	ssyncset.done $0x0  }
0x1d9: {  	s12 =	simm.s32 @!p0 $0xD;
	s19 =	rddreg [dreg:$0x16];
	[sflag:s26] =	ssyncadd.s32 $0xFFFFC000  }
0x1da: {  	[hbm4b:s19+s3] =	stream.linear.scatter [tilespmem:s8], [sflag:$0xA], $0x4000, $0x38;
	[tilespmem:$0x1A100] =	vst v63  }
0x1db: {  	_ =	swait.ge @!p0 [sflag:s12], $0x2000  }
0x1dc: {  	s0 =	simm.s32 @!p0 $0x18100;
	[sflag:s12] =	ssyncset.done @!p0 $0x0  }
0x1dd: {  	s8 =	simm.s32 @!p0 $0x0;
	s13 =	rddreg [dreg:$0x17];
	[sflag:s12] =	ssyncadd.s32 @!p0 $0xFFFFE000  }
0x1de: {  	[hbm4b:s13+s8] =	stream.linear.scatter @!p0 [tilespmem:s0], [sflag:$0xD], $0x2000, $0x38;
	[tilespmem:$0x1A100] =	vst v63  }
0x1df: {  	_ =	swait.ge [sflag:s16], $0x4000  }
0x1e0: {  	[sflag:s16] =	ssyncset.done $0x0  }
0x1e1: {  	[sflag:s16] =	ssyncadd.s32 $0xFFFFC000  }
0x1e2: {  	_ =	swait.ge [sflag:s1], $0x4000  }
0x1e3: {  	[sflag:s1] =	ssyncset.done $0x0  }
0x1e4: {  	[sflag:s1] =	ssyncadd.s32 $0xFFFFC000  }
0x1e5: {  	_ =	swait.ge [sflag:s22], $0x4000  }
0x1e6: {  	[sflag:s22] =	ssyncset.done $0x0  }
0x1e7: {  	[sflag:s22] =	ssyncadd.s32 $0xFFFFC000  }
0x1e8: {  	_ =	swait.ge [sflag:s24], $0x4000  }
0x1e9: {  	[sflag:s24] =	ssyncset.done $0x0  }
0x1ea: {  	[sflag:s24] =	ssyncadd.s32 $0xFFFFC000  }
0x1eb: {  	_ =	swait.ge [sflag:s28], $0x4000  }
0x1ec: {  	[sflag:s28] =	ssyncset.done $0x0  }
0x1ed: {  	s7 =	sadd.s32 $0xFFFFFFFF, s7;
	[sflag:s28] =	ssyncadd.s32 $0xFFFFC000  }
0x1ee: {  	p1 =	sne.s32 s7, $0x0;
	_ =	swait.ge [sflag:s30], $0x4000  }
.Ltmp0:
0x1ef: {  	[sflag:s30] =	ssyncset.done $0x0;
	(pc) =	sbr.rel @p1 .LBB2_1-.Ltmp0, $4  }
0x1f0: {  	[sflag:s30] =	ssyncadd.s32 $0xFFFFC000  }
0x1f1: {  	_ =	swait.ge @!p0 [sflag:s12], $0x2000  }
0x1f2: {  	[sflag:s12] =	ssyncset.done @!p0 $0x0  }
0x1f3: {  	[sflag:s12] =	ssyncadd.s32 @!p0 $0xFFFFE000  }
0x1f4: {  	_ =	sfence.sel $0x180000  }
0x1f5: {  	[bflag:$0x0] =	sbarrier.arrive $0xFFFF  }
0x1f6: {  	_ =	strace $0x90000047  }
0x1f7: {  	s0 =	stileid.u32;
	[bflag:$0x2] =	sbarrier.arrive $0xFFFF  }
0x1f8: {  	p0 =	sne.s32 s0, $0x0;
	s0 =	rddreg [dreg:$0x4]  }
0x1f9: {  	s0 =	sadd.s32 @!p0 $0x100000, s0  }
0x1fa: {  	[sflag:s0] =	ssyncadd.tile.s32 @!p0 $0x1;
	_ =	shalt  }
.Lfunc_end2:
_tile_overlayer_lowered:
.L_overlay_start_2:
0x1fb: {  	(tag) =	ssettag $0x2  }
0x1fc: {  	s0 =	rddreg [dreg:$0x0];
	s2 =	stileid.u32  }
0x1fd: {  	s1 =	rddreg [dreg:$0x1];
	p0 =	sne.s32 s2, $0x0  }
0x1fe: {  	s3 =	rddreg [dreg:$0x2];
	[bflag:$0x3] =	sbarrier.arrive $0xFFFF;
	s2 =	simm.s32 @!p0 $0x1C0E  }
0x1ff: {  	[timem:s3], [sflag:s2] =	dma.local @!p0 [hbm:s0], s1  }
0x200: {  	s0 =	simm.s32 @!p0 $0xE  }
0x201: {  	_ =	swait.ge @!p0 [sflag:s0], s1  }
0x202: {  	s1 =	ssub.s32 @!p0 $0x0, s1;
	[sflag:s0] =	ssyncset.done @!p0 $0x0  }
0x203: {  	[sflag:s0] =	ssyncadd.s32 @!p0 s1  }
0x204: {  	[bflag:$0x3] =	sbarrier.arrive $0xFFFF  }
0x205: {  	_ =	shalt  }

</sc_bundles>
